<compile_context>
chip_gen: v7x
topology: tpu7x:2x2x1
jax: 0.10.2.dev20260603
libtpu: 0.0.44.dev20260713+nightly
codegen_flags: <defaults>
</compile_context>

<pallas_src>
import functools

import jax
import jax.numpy as jnp
from jax import lax
from jax.experimental import pallas as pl
from jax.experimental.pallas import tpu as pltpu
from jax.experimental.pallas import tpu_sc as plsc

BATCH = 16384
FIELDS = 26
EMBED_DIM = 32
WEIGHT = 0.5
LANES = 16
NUM_CORES = 2
NUM_SUBCORES = 16
NW = NUM_CORES * NUM_SUBCORES
ROWS_PER_W = BATCH // NW
CHUNK_ROWS = 64
NCHUNKS = ROWS_PER_W // CHUNK_ROWS
IDX_PER_CHUNK = CHUNK_ROWS * FIELDS
IDX_TILE = 128
NIDX_TILES = IDX_PER_CHUNK // IDX_TILE


def _fm_body(x_hbm, w0_hbm, w1_hbm, v_hbm, out_hbm,
             idx_v, rows_v, w1_v, out_v, w0_v, gsem, wsem):
    wid = lax.axis_index("s") * NUM_CORES + lax.axis_index("c")
    pltpu.sync_copy(w0_hbm, w0_v)
    w0vec = w0_v[...]
    w1_v[pl.ds(IDX_PER_CHUNK, LANES)] = jnp.zeros((LANES,), jnp.float32)
    iota = lax.iota(jnp.int32, LANES)
    mask_tail = (iota < (FIELDS - LANES)).astype(jnp.float32)

    def do_chunk(c, carry):
        row_base = wid * ROWS_PER_W + c * CHUNK_ROWS
        xoff = (wid * ROWS_PER_W + c * CHUNK_ROWS) * FIELDS
        pltpu.sync_copy(x_hbm.at[pl.ds(xoff, IDX_PER_CHUNK)], idx_v)
        copies = []
        for j in range(NIDX_TILES):
            copies.append(pltpu.async_copy(
                v_hbm.at[idx_v.at[pl.ds(j * IDX_TILE, IDX_TILE)]],
                rows_v.at[pl.ds(j * IDX_TILE, IDX_TILE)], gsem))
            copies.append(pltpu.async_copy(
                w1_hbm.at[idx_v.at[pl.ds(j * IDX_TILE, IDX_TILE)]],
                w1_v.at[pl.ds(j * IDX_TILE, IDX_TILE)], wsem))
        for cp in copies:
            cp.wait()

        def row_body(b, carry2):
            rbase = b * FIELDS
            acc0 = jnp.zeros((LANES,), jnp.float32)
            acc1 = jnp.zeros((LANES,), jnp.float32)
            sq0 = jnp.zeros((LANES,), jnp.float32)
            sq1 = jnp.zeros((LANES,), jnp.float32)
            for f in range(FIELDS):
                v0 = rows_v[rbase + f, pl.ds(0, LANES)]
                v1 = rows_v[rbase + f, pl.ds(LANES, LANES)]
                acc0 = acc0 + v0
                acc1 = acc1 + v1
                sq0 = sq0 + v0 * v0
                sq1 = sq1 + v1 * v1
            l0 = plsc.load_gather(w1_v, [rbase + iota])
            l1 = plsc.load_gather(w1_v, [rbase + LANES + iota]) * mask_tail
            lin = jnp.sum(l0 + l1)
            linv = jnp.full((LANES,), lin, jnp.float32) + w0vec
            out_v[b, pl.ds(0, LANES)] = linv + WEIGHT * (acc0 * acc0 + sq0)
            out_v[b, pl.ds(LANES, LANES)] = linv + WEIGHT * (acc1 * acc1 + sq1)
            return carry2

        lax.fori_loop(0, CHUNK_ROWS, row_body, 0)
        pltpu.sync_copy(out_v, out_hbm.at[pl.ds(row_base, CHUNK_ROWS)])
        return carry

    lax.fori_loop(0, NCHUNKS, do_chunk, 0)


@jax.jit
def _fm(x2, w0b, w1f, V):
    mesh = plsc.VectorSubcoreMesh(core_axis_name="c", subcore_axis_name="s")
    f = functools.partial(
        pl.kernel,
        out_type=jax.ShapeDtypeStruct((BATCH, EMBED_DIM), jnp.float32),
        mesh=mesh,
        compiler_params=pltpu.CompilerParams(
            use_tc_tiling_on_sc=False, needs_layout_passes=False),
        scratch_types=[
            pltpu.VMEM((IDX_PER_CHUNK,), jnp.int32),
            pltpu.VMEM((IDX_PER_CHUNK, EMBED_DIM), jnp.float32),
            pltpu.VMEM((IDX_PER_CHUNK + LANES,), jnp.float32),
            pltpu.VMEM((CHUNK_ROWS, EMBED_DIM), jnp.float32),
            pltpu.VMEM((LANES,), jnp.float32),
            pltpu.SemaphoreType.DMA,
            pltpu.SemaphoreType.DMA,
        ],
    )(_fm_body)
    return f(x2, w0b, w1f, V)


def kernel(x, W0, W1, V):
    x2 = x.reshape(BATCH * FIELDS).astype(jnp.int32)
    w0b = jnp.broadcast_to(W0.astype(jnp.float32), (LANES,))
    w1f = W1.reshape(-1)
    return _fm(x2, w0b, w1f, V)

# --- scband reference (transcript-rebuilt; emitter-appended) ---
"""Pipeline reference for scband-fm-66623532695806 (READ-ONLY COPY).

The authoritative reference and input builder live on the scoring server;
editing this copy changes nothing except your own understanding.
"""

import jax, jax.numpy as jnp
import numpy as np

VOCAB = 1000000
EMBED_DIM = 32
BATCH = 16384
FIELDS = 26
WEIGHT = 0.5


def setup_inputs(seed: int = 0) -> dict:
    key = jax.random.key(seed)
    k_x, k_w0, k_w1, k_v = jax.random.split(key, 4)
    x = jax.random.randint(k_x, (BATCH, FIELDS), 0, VOCAB, dtype=jnp.int64) if jax.config.jax_enable_x64 else jax.random.randint(k_x, (BATCH, FIELDS), 0, VOCAB, dtype=jnp.int32)
    W0 = jax.random.normal(k_w0, (1,), dtype=jnp.float32)
    W1 = jax.random.normal(k_w1, (VOCAB, 1), dtype=jnp.float32)
    V = jax.random.normal(k_v, (VOCAB, EMBED_DIM), dtype=jnp.float32)
    return {"x": x, "W0": W0, "W1": W1, "V": V}


def reference(x, W0, W1, V):
    # linear part: sum of first-order embeddings over field axis + global bias
    w1_emb = jnp.take(W1, x, axis=0)            # [B, F, 1]
    linear_part = jnp.sum(w1_emb, axis=-2) + W0  # [B, 1]
    # second-order part (faithful to module: sum(e)^2 + sum(e^2), note the '+')
    e = jnp.take(V, x, axis=0)                   # [B, F, D]
    product_part = jnp.power(jnp.sum(e, axis=-2), 2)  # [B, D]
    product_part = product_part + jnp.sum(jnp.power(e, 2), axis=-2)  # [B, D]
    # point_dot == False, num_field == 0 (F is None)
    return linear_part + WEIGHT * product_part   # [B, D] via broadcast

if __name__ == "__main__":
    import jax
    _d = setup_inputs()
    print(jax.jit(kernel)(*tuple(_d.values())))

</pallas_src>

<mosaic_0001>
#map = affine_map<(d0, d1) -> (0)>
#map1 = affine_map<(d0, d1) -> (0, 0)>
module attributes {stable_mosaic.version = 14 : i64} {
  func.func @_fm_body(%arg0: i32, %arg1: i32, %arg2: memref<425984xi32, #tpu.memory_space<hbm>>, %arg3: memref<16xf32, #tpu.memory_space<hbm>>, %arg4: memref<1000000xf32, #tpu.memory_space<hbm>>, %arg5: memref<1000000x32xf32, #tpu.memory_space<hbm>>, %arg6: memref<16384x32xf32, #tpu.memory_space<hbm>>, %arg7: memref<1664xi32, #tpu.memory_space<vmem>>, %arg8: memref<1664x32xf32, #tpu.memory_space<vmem>>, %arg9: memref<1680xf32, #tpu.memory_space<vmem>>, %arg10: memref<64x32xf32, #tpu.memory_space<vmem>>, %arg11: memref<16xf32, #tpu.memory_space<vmem>>, %arg12: memref<!tpu.dma_semaphore, #tpu.memory_space<semaphore_mem>>, %arg13: memref<!tpu.dma_semaphore, #tpu.memory_space<semaphore_mem>>) attributes {dimension_semantics = [#tpu.dimension_semantics<core_parallel>, #tpu.dimension_semantics<subcore_parallel>], iteration_bounds = array<i64: 2, 16>, scalar_prefetch = 0 : i64, scratch_operands = 7 : i64, tpu.core_type = #tpu.core_type<sc_vector_subcore>, window_params = [{transform_indices = #map}, {transform_indices = #map}, {transform_indices = #map}, {transform_indices = #map1}, {transform_indices = #map1}]} {
    %mul3A = arith.constant 2 : i32
    %mul3A_0 = arith.muli %arg1, %mul3A : i32
    %add3A = arith.addi %mul3A_0, %arg0 : i32
    "tpu.region"() ({
      %run_scoped3A = tpu.sem_alloc : memref<!tpu.dma_semaphore, #tpu.memory_space<semaphore_mem>>
      tpu.enqueue_dma source(%arg3 : memref<16xf32, #tpu.memory_space<hbm>>) target(%arg11 : memref<16xf32, #tpu.memory_space<vmem>>) target_semaphore(%run_scoped3A : memref<!tpu.dma_semaphore, #tpu.memory_space<semaphore_mem>>)
      tpu.wait_dma2 semaphore(%run_scoped3A : memref<!tpu.dma_semaphore, #tpu.memory_space<semaphore_mem>>) src(%arg3 : memref<16xf32, #tpu.memory_space<hbm>>) dst(%arg11 : memref<16xf32, #tpu.memory_space<vmem>>)
      tpu.yield
    }) : () -> ()
    %get3A = arith.constant 0 : index
    %get3A_1 = tpu.vector_load %arg11[%get3A] {strides = array<i32>} : memref<16xf32, #tpu.memory_space<vmem>>, vector<16xf32>,
    %broadcast_in_dim3A = arith.constant 0.000000e+00 : f32
    %broadcast_in_dim3A_2 = vector.broadcast %broadcast_in_dim3A : f32 to vector<16xf32>
    %swap3A = arith.constant 1664 : index
    %swap3A_3 = tpu.vector_load %arg9[%swap3A] {strides = array<i32>} : memref<1680xf32, #tpu.memory_space<vmem>>, vector<16xf32>,
    tpu.vector_store %arg9[%swap3A], %broadcast_in_dim3A_2 {strides = array<i32>} : memref<1680xf32, #tpu.memory_space<vmem>>, vector<16xf32>,
    %iota3A = tpu.iota {dimensions = array<i32: 0>} : vector<16xi32>
    %lt3A = arith.constant 10 : i32
    %lt3A_4 = vector.broadcast %lt3A : i32 to vector<16xi32>
    %lt3A_5 = arith.cmpi slt, %iota3A, %lt3A_4 : vector<16xi32>
    %convert_element_type3A = arith.extui %lt3A_5 : vector<16xi1> to vector<16xi32>
    %convert_element_type3A_6 = arith.sitofp %convert_element_type3A : vector<16xi32> to vector<16xf32>
    %scan3A = arith.constant 0 : i32
    %scan3A_7 = arith.constant 0 : i32
    %scan3A_8 = arith.constant 8 : i32
    %scan3A_9 = arith.addi %scan3A_7, %scan3A_8 : i32
    %scan3A_10 = arith.constant 1 : i32
    scf.for %scan3A_12 = %scan3A_7 to %scan3A_9 step %scan3A_10  : i32 {
      %mul3A_13 = arith.constant 512 : i32
      %mul3A_14 = arith.muli %add3A, %mul3A_13 : i32
      %mul3A_15 = arith.constant 64 : i32
      %mul3A_16 = arith.muli %scan3A_12, %mul3A_15 : i32
      %add3A_17 = arith.addi %mul3A_14, %mul3A_16 : i32
      %mul3A_18 = arith.constant 512 : i32
      %mul3A_19 = arith.muli %add3A, %mul3A_18 : i32
      %mul3A_20 = arith.constant 64 : i32
      %mul3A_21 = arith.muli %scan3A_12, %mul3A_20 : i32
      %add3A_22 = arith.addi %mul3A_19, %mul3A_21 : i32
      %mul3A_23 = arith.constant 26 : i32
      %mul3A_24 = arith.muli %add3A_22, %mul3A_23 : i32
      "tpu.region"() ({
        %run_scoped3A = tpu.sem_alloc : memref<!tpu.dma_semaphore, #tpu.memory_space<semaphore_mem>>
        %dma_start3A_393 = tpu.memref_slice %arg2[%mul3A_24] : memref<425984xi32, #tpu.memory_space<hbm>> -> memref<1664xi32, #tpu.memory_space<hbm>>
        %dma_start3A_394 = tpu.memref_slice %arg2[%mul3A_24] : memref<425984xi32, #tpu.memory_space<hbm>> -> memref<1664xi32, #tpu.memory_space<hbm>>
        tpu.enqueue_dma source(%dma_start3A_394 : memref<1664xi32, #tpu.memory_space<hbm>>) target(%arg7 : memref<1664xi32, #tpu.memory_space<vmem>>) target_semaphore(%run_scoped3A : memref<!tpu.dma_semaphore, #tpu.memory_space<semaphore_mem>>)
        %dma_wait3A_395 = tpu.memref_slice %arg2[%mul3A_24] : memref<425984xi32, #tpu.memory_space<hbm>> -> memref<1664xi32, #tpu.memory_space<hbm>>
        %dma_wait3A_396 = tpu.memref_slice %arg2[%mul3A_24] : memref<425984xi32, #tpu.memory_space<hbm>> -> memref<1664xi32, #tpu.memory_space<hbm>>
        tpu.wait_dma2 semaphore(%run_scoped3A : memref<!tpu.dma_semaphore, #tpu.memory_space<semaphore_mem>>) src(%dma_wait3A_396 : memref<1664xi32, #tpu.memory_space<hbm>>) dst(%arg7 : memref<1664xi32, #tpu.memory_space<vmem>>)
        tpu.yield
      }) : () -> ()
      %dma_start3A = arith.constant 0 : i32
      %dma_start3A_25 = arith.constant 0 : i32
      %dma_start3A_26 = tpu.memref_slice %arg8[%dma_start3A, %dma_start3A_25] : memref<1664x32xf32, #tpu.memory_space<vmem>> -> memref<128x32xf32, #tpu.memory_space<vmem>>
      %dma_start3A_27 = arith.constant 0 : i32
      %dma_start3A_28 = tpu.memref_slice %arg7[%dma_start3A_27] : memref<1664xi32, #tpu.memory_space<vmem>> -> memref<128xi32, #tpu.memory_space<vmem>>
      %dma_start3A_29 = arith.constant 0 : i32
      %dma_start3A_30 = arith.constant 0 : i32
      %dma_start3A_31 = tpu.memref_slice %arg5[%dma_start3A_29, %dma_start3A_30] : memref<1000000x32xf32, #tpu.memory_space<hbm>> -> memref<1000000x32xf32, #tpu.memory_space<hbm>>
      tpu.enqueue_indirect_dma source(%dma_start3A_31 : memref<1000000x32xf32, #tpu.memory_space<hbm>>) target(%dma_start3A_26 : memref<128x32xf32, #tpu.memory_space<vmem>>) offsets(%dma_start3A_28 : memref<128xi32, #tpu.memory_space<vmem>>) semaphore(%arg12 : memref<!tpu.dma_semaphore, #tpu.memory_space<semaphore_mem>>)
      %dma_start3A_32 = arith.constant 0 : i32
      %dma_start3A_33 = tpu.memref_slice %arg9[%dma_start3A_32] : memref<1680xf32, #tpu.memory_space<vmem>> -> memref<128xf32, #tpu.memory_space<vmem>>
      %dma_start3A_34 = arith.constant 0 : i32
      %dma_start3A_35 = tpu.memref_slice %arg7[%dma_start3A_34] : memref<1664xi32, #tpu.memory_space<vmem>> -> memref<128xi32, #tpu.memory_space<vmem>>
      %dma_start3A_36 = arith.constant 0 : i32
      %dma_start3A_37 = tpu.memref_slice %arg4[%dma_start3A_36] : memref<1000000xf32, #tpu.memory_space<hbm>> -> memref<1000000xf32, #tpu.memory_space<hbm>>
      tpu.enqueue_indirect_dma source(%dma_start3A_37 : memref<1000000xf32, #tpu.memory_space<hbm>>) target(%dma_start3A_33 : memref<128xf32, #tpu.memory_space<vmem>>) offsets(%dma_start3A_35 : memref<128xi32, #tpu.memory_space<vmem>>) semaphore(%arg13 : memref<!tpu.dma_semaphore, #tpu.memory_space<semaphore_mem>>)
      %dma_start3A_38 = arith.constant 128 : i32
      %dma_start3A_39 = arith.constant 0 : i32
      %dma_start3A_40 = tpu.memref_slice %arg8[%dma_start3A_38, %dma_start3A_39] : memref<1664x32xf32, #tpu.memory_space<vmem>> -> memref<128x32xf32, #tpu.memory_space<vmem>>
      %dma_start3A_41 = arith.constant 128 : i32
      %dma_start3A_42 = tpu.memref_slice %arg7[%dma_start3A_41] : memref<1664xi32, #tpu.memory_space<vmem>> -> memref<128xi32, #tpu.memory_space<vmem>>
      %dma_start3A_43 = arith.constant 0 : i32
      %dma_start3A_44 = arith.constant 0 : i32
      %dma_start3A_45 = tpu.memref_slice %arg5[%dma_start3A_43, %dma_start3A_44] : memref<1000000x32xf32, #tpu.memory_space<hbm>> -> memref<1000000x32xf32, #tpu.memory_space<hbm>>
      tpu.enqueue_indirect_dma source(%dma_start3A_45 : memref<1000000x32xf32, #tpu.memory_space<hbm>>) target(%dma_start3A_40 : memref<128x32xf32, #tpu.memory_space<vmem>>) offsets(%dma_start3A_42 : memref<128xi32, #tpu.memory_space<vmem>>) semaphore(%arg12 : memref<!tpu.dma_semaphore, #tpu.memory_space<semaphore_mem>>)
      %dma_start3A_46 = arith.constant 128 : i32
      %dma_start3A_47 = tpu.memref_slice %arg9[%dma_start3A_46] : memref<1680xf32, #tpu.memory_space<vmem>> -> memref<128xf32, #tpu.memory_space<vmem>>
      %dma_start3A_48 = arith.constant 128 : i32
      %dma_start3A_49 = tpu.memref_slice %arg7[%dma_start3A_48] : memref<1664xi32, #tpu.memory_space<vmem>> -> memref<128xi32, #tpu.memory_space<vmem>>
      %dma_start3A_50 = arith.constant 0 : i32
      %dma_start3A_51 = tpu.memref_slice %arg4[%dma_start3A_50] : memref<1000000xf32, #tpu.memory_space<hbm>> -> memref<1000000xf32, #tpu.memory_space<hbm>>
      tpu.enqueue_indirect_dma source(%dma_start3A_51 : memref<1000000xf32, #tpu.memory_space<hbm>>) target(%dma_start3A_47 : memref<128xf32, #tpu.memory_space<vmem>>) offsets(%dma_start3A_49 : memref<128xi32, #tpu.memory_space<vmem>>) semaphore(%arg13 : memref<!tpu.dma_semaphore, #tpu.memory_space<semaphore_mem>>)
      %dma_start3A_52 = arith.constant 256 : i32
      %dma_start3A_53 = arith.constant 0 : i32
      %dma_start3A_54 = tpu.memref_slice %arg8[%dma_start3A_52, %dma_start3A_53] : memref<1664x32xf32, #tpu.memory_space<vmem>> -> memref<128x32xf32, #tpu.memory_space<vmem>>
      %dma_start3A_55 = arith.constant 256 : i32
      %dma_start3A_56 = tpu.memref_slice %arg7[%dma_start3A_55] : memref<1664xi32, #tpu.memory_space<vmem>> -> memref<128xi32, #tpu.memory_space<vmem>>
      %dma_start3A_57 = arith.constant 0 : i32
      %dma_start3A_58 = arith.constant 0 : i32
      %dma_start3A_59 = tpu.memref_slice %arg5[%dma_start3A_57, %dma_start3A_58] : memref<1000000x32xf32, #tpu.memory_space<hbm>> -> memref<1000000x32xf32, #tpu.memory_space<hbm>>
      tpu.enqueue_indirect_dma source(%dma_start3A_59 : memref<1000000x32xf32, #tpu.memory_space<hbm>>) target(%dma_start3A_54 : memref<128x32xf32, #tpu.memory_space<vmem>>) offsets(%dma_start3A_56 : memref<128xi32, #tpu.memory_space<vmem>>) semaphore(%arg12 : memref<!tpu.dma_semaphore, #tpu.memory_space<semaphore_mem>>)
      %dma_start3A_60 = arith.constant 256 : i32
      %dma_start3A_61 = tpu.memref_slice %arg9[%dma_start3A_60] : memref<1680xf32, #tpu.memory_space<vmem>> -> memref<128xf32, #tpu.memory_space<vmem>>
      %dma_start3A_62 = arith.constant 256 : i32
      %dma_start3A_63 = tpu.memref_slice %arg7[%dma_start3A_62] : memref<1664xi32, #tpu.memory_space<vmem>> -> memref<128xi32, #tpu.memory_space<vmem>>
      %dma_start3A_64 = arith.constant 0 : i32
      %dma_start3A_65 = tpu.memref_slice %arg4[%dma_start3A_64] : memref<1000000xf32, #tpu.memory_space<hbm>> -> memref<1000000xf32, #tpu.memory_space<hbm>>
      tpu.enqueue_indirect_dma source(%dma_start3A_65 : memref<1000000xf32, #tpu.memory_space<hbm>>) target(%dma_start3A_61 : memref<128xf32, #tpu.memory_space<vmem>>) offsets(%dma_start3A_63 : memref<128xi32, #tpu.memory_space<vmem>>) semaphore(%arg13 : memref<!tpu.dma_semaphore, #tpu.memory_space<semaphore_mem>>)
      %dma_start3A_66 = arith.constant 384 : i32
      %dma_start3A_67 = arith.constant 0 : i32
      %dma_start3A_68 = tpu.memref_slice %arg8[%dma_start3A_66, %dma_start3A_67] : memref<1664x32xf32, #tpu.memory_space<vmem>> -> memref<128x32xf32, #tpu.memory_space<vmem>>
      %dma_start3A_69 = arith.constant 384 : i32
      %dma_start3A_70 = tpu.memref_slice %arg7[%dma_start3A_69] : memref<1664xi32, #tpu.memory_space<vmem>> -> memref<128xi32, #tpu.memory_space<vmem>>
      %dma_start3A_71 = arith.constant 0 : i32
      %dma_start3A_72 = arith.constant 0 : i32
      %dma_start3A_73 = tpu.memref_slice %arg5[%dma_start3A_71, %dma_start3A_72] : memref<1000000x32xf32, #tpu.memory_space<hbm>> -> memref<1000000x32xf32, #tpu.memory_space<hbm>>
      tpu.enqueue_indirect_dma source(%dma_start3A_73 : memref<1000000x32xf32, #tpu.memory_space<hbm>>) target(%dma_start3A_68 : memref<128x32xf32, #tpu.memory_space<vmem>>) offsets(%dma_start3A_70 : memref<128xi32, #tpu.memory_space<vmem>>) semaphore(%arg12 : memref<!tpu.dma_semaphore, #tpu.memory_space<semaphore_mem>>)
      %dma_start3A_74 = arith.constant 384 : i32
      %dma_start3A_75 = tpu.memref_slice %arg9[%dma_start3A_74] : memref<1680xf32, #tpu.memory_space<vmem>> -> memref<128xf32, #tpu.memory_space<vmem>>
      %dma_start3A_76 = arith.constant 384 : i32
      %dma_start3A_77 = tpu.memref_slice %arg7[%dma_start3A_76] : memref<1664xi32, #tpu.memory_space<vmem>> -> memref<128xi32, #tpu.memory_space<vmem>>
      %dma_start3A_78 = arith.constant 0 : i32
      %dma_start3A_79 = tpu.memref_slice %arg4[%dma_start3A_78] : memref<1000000xf32, #tpu.memory_space<hbm>> -> memref<1000000xf32, #tpu.memory_space<hbm>>
      tpu.enqueue_indirect_dma source(%dma_start3A_79 : memref<1000000xf32, #tpu.memory_space<hbm>>) target(%dma_start3A_75 : memref<128xf32, #tpu.memory_space<vmem>>) offsets(%dma_start3A_77 : memref<128xi32, #tpu.memory_space<vmem>>) semaphore(%arg13 : memref<!tpu.dma_semaphore, #tpu.memory_space<semaphore_mem>>)
      %dma_start3A_80 = arith.constant 512 : i32
      %dma_start3A_81 = arith.constant 0 : i32
      %dma_start3A_82 = tpu.memref_slice %arg8[%dma_start3A_80, %dma_start3A_81] : memref<1664x32xf32, #tpu.memory_space<vmem>> -> memref<128x32xf32, #tpu.memory_space<vmem>>
      %dma_start3A_83 = arith.constant 512 : i32
      %dma_start3A_84 = tpu.memref_slice %arg7[%dma_start3A_83] : memref<1664xi32, #tpu.memory_space<vmem>> -> memref<128xi32, #tpu.memory_space<vmem>>
      %dma_start3A_85 = arith.constant 0 : i32
      %dma_start3A_86 = arith.constant 0 : i32
      %dma_start3A_87 = tpu.memref_slice %arg5[%dma_start3A_85, %dma_start3A_86] : memref<1000000x32xf32, #tpu.memory_space<hbm>> -> memref<1000000x32xf32, #tpu.memory_space<hbm>>
      tpu.enqueue_indirect_dma source(%dma_start3A_87 : memref<1000000x32xf32, #tpu.memory_space<hbm>>) target(%dma_start3A_82 : memref<128x32xf32, #tpu.memory_space<vmem>>) offsets(%dma_start3A_84 : memref<128xi32, #tpu.memory_space<vmem>>) semaphore(%arg12 : memref<!tpu.dma_semaphore, #tpu.memory_space<semaphore_mem>>)
      %dma_start3A_88 = arith.constant 512 : i32
      %dma_start3A_89 = tpu.memref_slice %arg9[%dma_start3A_88] : memref<1680xf32, #tpu.memory_space<vmem>> -> memref<128xf32, #tpu.memory_space<vmem>>
      %dma_start3A_90 = arith.constant 512 : i32
      %dma_start3A_91 = tpu.memref_slice %arg7[%dma_start3A_90] : memref<1664xi32, #tpu.memory_space<vmem>> -> memref<128xi32, #tpu.memory_space<vmem>>
      %dma_start3A_92 = arith.constant 0 : i32
      %dma_start3A_93 = tpu.memref_slice %arg4[%dma_start3A_92] : memref<1000000xf32, #tpu.memory_space<hbm>> -> memref<1000000xf32, #tpu.memory_space<hbm>>
      tpu.enqueue_indirect_dma source(%dma_start3A_93 : memref<1000000xf32, #tpu.memory_space<hbm>>) target(%dma_start3A_89 : memref<128xf32, #tpu.memory_space<vmem>>) offsets(%dma_start3A_91 : memref<128xi32, #tpu.memory_space<vmem>>) semaphore(%arg13 : memref<!tpu.dma_semaphore, #tpu.memory_space<semaphore_mem>>)
      %dma_start3A_94 = arith.constant 640 : i32
      %dma_start3A_95 = arith.constant 0 : i32
      %dma_start3A_96 = tpu.memref_slice %arg8[%dma_start3A_94, %dma_start3A_95] : memref<1664x32xf32, #tpu.memory_space<vmem>> -> memref<128x32xf32, #tpu.memory_space<vmem>>
      %dma_start3A_97 = arith.constant 640 : i32
      %dma_start3A_98 = tpu.memref_slice %arg7[%dma_start3A_97] : memref<1664xi32, #tpu.memory_space<vmem>> -> memref<128xi32, #tpu.memory_space<vmem>>
      %dma_start3A_99 = arith.constant 0 : i32
      %dma_start3A_100 = arith.constant 0 : i32
      %dma_start3A_101 = tpu.memref_slice %arg5[%dma_start3A_99, %dma_start3A_100] : memref<1000000x32xf32, #tpu.memory_space<hbm>> -> memref<1000000x32xf32, #tpu.memory_space<hbm>>
      tpu.enqueue_indirect_dma source(%dma_start3A_101 : memref<1000000x32xf32, #tpu.memory_space<hbm>>) target(%dma_start3A_96 : memref<128x32xf32, #tpu.memory_space<vmem>>) offsets(%dma_start3A_98 : memref<128xi32, #tpu.memory_space<vmem>>) semaphore(%arg12 : memref<!tpu.dma_semaphore, #tpu.memory_space<semaphore_mem>>)
      %dma_start3A_102 = arith.constant 640 : i32
      %dma_start3A_103 = tpu.memref_slice %arg9[%dma_start3A_102] : memref<1680xf32, #tpu.memory_space<vmem>> -> memref<128xf32, #tpu.memory_space<vmem>>
      %dma_start3A_104 = arith.constant 640 : i32
      %dma_start3A_105 = tpu.memref_slice %arg7[%dma_start3A_104] : memref<1664xi32, #tpu.memory_space<vmem>> -> memref<128xi32, #tpu.memory_space<vmem>>
      %dma_start3A_106 = arith.constant 0 : i32
      %dma_start3A_107 = tpu.memref_slice %arg4[%dma_start3A_106] : memref<1000000xf32, #tpu.memory_space<hbm>> -> memref<1000000xf32, #tpu.memory_space<hbm>>
      tpu.enqueue_indirect_dma source(%dma_start3A_107 : memref<1000000xf32, #tpu.memory_space<hbm>>) target(%dma_start3A_103 : memref<128xf32, #tpu.memory_space<vmem>>) offsets(%dma_start3A_105 : memref<128xi32, #tpu.memory_space<vmem>>) semaphore(%arg13 : memref<!tpu.dma_semaphore, #tpu.memory_space<semaphore_mem>>)
      %dma_start3A_108 = arith.constant 768 : i32
      %dma_start3A_109 = arith.constant 0 : i32
      %dma_start3A_110 = tpu.memref_slice %arg8[%dma_start3A_108, %dma_start3A_109] : memref<1664x32xf32, #tpu.memory_space<vmem>> -> memref<128x32xf32, #tpu.memory_space<vmem>>
      %dma_start3A_111 = arith.constant 768 : i32
      %dma_start3A_112 = tpu.memref_slice %arg7[%dma_start3A_111] : memref<1664xi32, #tpu.memory_space<vmem>> -> memref<128xi32, #tpu.memory_space<vmem>>
      %dma_start3A_113 = arith.constant 0 : i32
      %dma_start3A_114 = arith.constant 0 : i32
      %dma_start3A_115 = tpu.memref_slice %arg5[%dma_start3A_113, %dma_start3A_114] : memref<1000000x32xf32, #tpu.memory_space<hbm>> -> memref<1000000x32xf32, #tpu.memory_space<hbm>>
      tpu.enqueue_indirect_dma source(%dma_start3A_115 : memref<1000000x32xf32, #tpu.memory_space<hbm>>) target(%dma_start3A_110 : memref<128x32xf32, #tpu.memory_space<vmem>>) offsets(%dma_start3A_112 : memref<128xi32, #tpu.memory_space<vmem>>) semaphore(%arg12 : memref<!tpu.dma_semaphore, #tpu.memory_space<semaphore_mem>>)
      %dma_start3A_116 = arith.constant 768 : i32
      %dma_start3A_117 = tpu.memref_slice %arg9[%dma_start3A_116] : memref<1680xf32, #tpu.memory_space<vmem>> -> memref<128xf32, #tpu.memory_space<vmem>>
      %dma_start3A_118 = arith.constant 768 : i32
      %dma_start3A_119 = tpu.memref_slice %arg7[%dma_start3A_118] : memref<1664xi32, #tpu.memory_space<vmem>> -> memref<128xi32, #tpu.memory_space<vmem>>
      %dma_start3A_120 = arith.constant 0 : i32
      %dma_start3A_121 = tpu.memref_slice %arg4[%dma_start3A_120] : memref<1000000xf32, #tpu.memory_space<hbm>> -> memref<1000000xf32, #tpu.memory_space<hbm>>
      tpu.enqueue_indirect_dma source(%dma_start3A_121 : memref<1000000xf32, #tpu.memory_space<hbm>>) target(%dma_start3A_117 : memref<128xf32, #tpu.memory_space<vmem>>) offsets(%dma_start3A_119 : memref<128xi32, #tpu.memory_space<vmem>>) semaphore(%arg13 : memref<!tpu.dma_semaphore, #tpu.memory_space<semaphore_mem>>)
      %dma_start3A_122 = arith.constant 896 : i32
      %dma_start3A_123 = arith.constant 0 : i32
      %dma_start3A_124 = tpu.memref_slice %arg8[%dma_start3A_122, %dma_start3A_123] : memref<1664x32xf32, #tpu.memory_space<vmem>> -> memref<128x32xf32, #tpu.memory_space<vmem>>
      %dma_start3A_125 = arith.constant 896 : i32
      %dma_start3A_126 = tpu.memref_slice %arg7[%dma_start3A_125] : memref<1664xi32, #tpu.memory_space<vmem>> -> memref<128xi32, #tpu.memory_space<vmem>>
      %dma_start3A_127 = arith.constant 0 : i32
      %dma_start3A_128 = arith.constant 0 : i32
      %dma_start3A_129 = tpu.memref_slice %arg5[%dma_start3A_127, %dma_start3A_128] : memref<1000000x32xf32, #tpu.memory_space<hbm>> -> memref<1000000x32xf32, #tpu.memory_space<hbm>>
      tpu.enqueue_indirect_dma source(%dma_start3A_129 : memref<1000000x32xf32, #tpu.memory_space<hbm>>) target(%dma_start3A_124 : memref<128x32xf32, #tpu.memory_space<vmem>>) offsets(%dma_start3A_126 : memref<128xi32, #tpu.memory_space<vmem>>) semaphore(%arg12 : memref<!tpu.dma_semaphore, #tpu.memory_space<semaphore_mem>>)
      %dma_start3A_130 = arith.constant 896 : i32
      %dma_start3A_131 = tpu.memref_slice %arg9[%dma_start3A_130] : memref<1680xf32, #tpu.memory_space<vmem>> -> memref<128xf32, #tpu.memory_space<vmem>>
      %dma_start3A_132 = arith.constant 896 : i32
      %dma_start3A_133 = tpu.memref_slice %arg7[%dma_start3A_132] : memref<1664xi32, #tpu.memory_space<vmem>> -> memref<128xi32, #tpu.memory_space<vmem>>
      %dma_start3A_134 = arith.constant 0 : i32
      %dma_start3A_135 = tpu.memref_slice %arg4[%dma_start3A_134] : memref<1000000xf32, #tpu.memory_space<hbm>> -> memref<1000000xf32, #tpu.memory_space<hbm>>
      tpu.enqueue_indirect_dma source(%dma_start3A_135 : memref<1000000xf32, #tpu.memory_space<hbm>>) target(%dma_start3A_131 : memref<128xf32, #tpu.memory_space<vmem>>) offsets(%dma_start3A_133 : memref<128xi32, #tpu.memory_space<vmem>>) semaphore(%arg13 : memref<!tpu.dma_semaphore, #tpu.memory_space<semaphore_mem>>)
      %dma_start3A_136 = arith.constant 1024 : i32
      %dma_start3A_137 = arith.constant 0 : i32
      %dma_start3A_138 = tpu.memref_slice %arg8[%dma_start3A_136, %dma_start3A_137] : memref<1664x32xf32, #tpu.memory_space<vmem>> -> memref<128x32xf32, #tpu.memory_space<vmem>>
      %dma_start3A_139 = arith.constant 1024 : i32
      %dma_start3A_140 = tpu.memref_slice %arg7[%dma_start3A_139] : memref<1664xi32, #tpu.memory_space<vmem>> -> memref<128xi32, #tpu.memory_space<vmem>>
      %dma_start3A_141 = arith.constant 0 : i32
      %dma_start3A_142 = arith.constant 0 : i32
      %dma_start3A_143 = tpu.memref_slice %arg5[%dma_start3A_141, %dma_start3A_142] : memref<1000000x32xf32, #tpu.memory_space<hbm>> -> memref<1000000x32xf32, #tpu.memory_space<hbm>>
      tpu.enqueue_indirect_dma source(%dma_start3A_143 : memref<1000000x32xf32, #tpu.memory_space<hbm>>) target(%dma_start3A_138 : memref<128x32xf32, #tpu.memory_space<vmem>>) offsets(%dma_start3A_140 : memref<128xi32, #tpu.memory_space<vmem>>) semaphore(%arg12 : memref<!tpu.dma_semaphore, #tpu.memory_space<semaphore_mem>>)
      %dma_start3A_144 = arith.constant 1024 : i32
      %dma_start3A_145 = tpu.memref_slice %arg9[%dma_start3A_144] : memref<1680xf32, #tpu.memory_space<vmem>> -> memref<128xf32, #tpu.memory_space<vmem>>
      %dma_start3A_146 = arith.constant 1024 : i32
      %dma_start3A_147 = tpu.memref_slice %arg7[%dma_start3A_146] : memref<1664xi32, #tpu.memory_space<vmem>> -> memref<128xi32, #tpu.memory_space<vmem>>
      %dma_start3A_148 = arith.constant 0 : i32
      %dma_start3A_149 = tpu.memref_slice %arg4[%dma_start3A_148] : memref<1000000xf32, #tpu.memory_space<hbm>> -> memref<1000000xf32, #tpu.memory_space<hbm>>
      tpu.enqueue_indirect_dma source(%dma_start3A_149 : memref<1000000xf32, #tpu.memory_space<hbm>>) target(%dma_start3A_145 : memref<128xf32, #tpu.memory_space<vmem>>) offsets(%dma_start3A_147 : memref<128xi32, #tpu.memory_space<vmem>>) semaphore(%arg13 : memref<!tpu.dma_semaphore, #tpu.memory_space<semaphore_mem>>)
      %dma_start3A_150 = arith.constant 1152 : i32
      %dma_start3A_151 = arith.constant 0 : i32
      %dma_start3A_152 = tpu.memref_slice %arg8[%dma_start3A_150, %dma_start3A_151] : memref<1664x32xf32, #tpu.memory_space<vmem>> -> memref<128x32xf32, #tpu.memory_space<vmem>>
      %dma_start3A_153 = arith.constant 1152 : i32
      %dma_start3A_154 = tpu.memref_slice %arg7[%dma_start3A_153] : memref<1664xi32, #tpu.memory_space<vmem>> -> memref<128xi32, #tpu.memory_space<vmem>>
      %dma_start3A_155 = arith.constant 0 : i32
      %dma_start3A_156 = arith.constant 0 : i32
      %dma_start3A_157 = tpu.memref_slice %arg5[%dma_start3A_155, %dma_start3A_156] : memref<1000000x32xf32, #tpu.memory_space<hbm>> -> memref<1000000x32xf32, #tpu.memory_space<hbm>>
      tpu.enqueue_indirect_dma source(%dma_start3A_157 : memref<1000000x32xf32, #tpu.memory_space<hbm>>) target(%dma_start3A_152 : memref<128x32xf32, #tpu.memory_space<vmem>>) offsets(%dma_start3A_154 : memref<128xi32, #tpu.memory_space<vmem>>) semaphore(%arg12 : memref<!tpu.dma_semaphore, #tpu.memory_space<semaphore_mem>>)
      %dma_start3A_158 = arith.constant 1152 : i32
      %dma_start3A_159 = tpu.memref_slice %arg9[%dma_start3A_158] : memref<1680xf32, #tpu.memory_space<vmem>> -> memref<128xf32, #tpu.memory_space<vmem>>
      %dma_start3A_160 = arith.constant 1152 : i32
      %dma_start3A_161 = tpu.memref_slice %arg7[%dma_start3A_160] : memref<1664xi32, #tpu.memory_space<vmem>> -> memref<128xi32, #tpu.memory_space<vmem>>
      %dma_start3A_162 = arith.constant 0 : i32
      %dma_start3A_163 = tpu.memref_slice %arg4[%dma_start3A_162] : memref<1000000xf32, #tpu.memory_space<hbm>> -> memref<1000000xf32, #tpu.memory_space<hbm>>
      tpu.enqueue_indirect_dma source(%dma_start3A_163 : memref<1000000xf32, #tpu.memory_space<hbm>>) target(%dma_start3A_159 : memref<128xf32, #tpu.memory_space<vmem>>) offsets(%dma_start3A_161 : memref<128xi32, #tpu.memory_space<vmem>>) semaphore(%arg13 : memref<!tpu.dma_semaphore, #tpu.memory_space<semaphore_mem>>)
      %dma_start3A_164 = arith.constant 1280 : i32
      %dma_start3A_165 = arith.constant 0 : i32
      %dma_start3A_166 = tpu.memref_slice %arg8[%dma_start3A_164, %dma_start3A_165] : memref<1664x32xf32, #tpu.memory_space<vmem>> -> memref<128x32xf32, #tpu.memory_space<vmem>>
      %dma_start3A_167 = arith.constant 1280 : i32
      %dma_start3A_168 = tpu.memref_slice %arg7[%dma_start3A_167] : memref<1664xi32, #tpu.memory_space<vmem>> -> memref<128xi32, #tpu.memory_space<vmem>>
      %dma_start3A_169 = arith.constant 0 : i32
      %dma_start3A_170 = arith.constant 0 : i32
      %dma_start3A_171 = tpu.memref_slice %arg5[%dma_start3A_169, %dma_start3A_170] : memref<1000000x32xf32, #tpu.memory_space<hbm>> -> memref<1000000x32xf32, #tpu.memory_space<hbm>>
      tpu.enqueue_indirect_dma source(%dma_start3A_171 : memref<1000000x32xf32, #tpu.memory_space<hbm>>) target(%dma_start3A_166 : memref<128x32xf32, #tpu.memory_space<vmem>>) offsets(%dma_start3A_168 : memref<128xi32, #tpu.memory_space<vmem>>) semaphore(%arg12 : memref<!tpu.dma_semaphore, #tpu.memory_space<semaphore_mem>>)
      %dma_start3A_172 = arith.constant 1280 : i32
      %dma_start3A_173 = tpu.memref_slice %arg9[%dma_start3A_172] : memref<1680xf32, #tpu.memory_space<vmem>> -> memref<128xf32, #tpu.memory_space<vmem>>
      %dma_start3A_174 = arith.constant 1280 : i32
      %dma_start3A_175 = tpu.memref_slice %arg7[%dma_start3A_174] : memref<1664xi32, #tpu.memory_space<vmem>> -> memref<128xi32, #tpu.memory_space<vmem>>
      %dma_start3A_176 = arith.constant 0 : i32
      %dma_start3A_177 = tpu.memref_slice %arg4[%dma_start3A_176] : memref<1000000xf32, #tpu.memory_space<hbm>> -> memref<1000000xf32, #tpu.memory_space<hbm>>
      tpu.enqueue_indirect_dma source(%dma_start3A_177 : memref<1000000xf32, #tpu.memory_space<hbm>>) target(%dma_start3A_173 : memref<128xf32, #tpu.memory_space<vmem>>) offsets(%dma_start3A_175 : memref<128xi32, #tpu.memory_space<vmem>>) semaphore(%arg13 : memref<!tpu.dma_semaphore, #tpu.memory_space<semaphore_mem>>)
      %dma_start3A_178 = arith.constant 1408 : i32
      %dma_start3A_179 = arith.constant 0 : i32
      %dma_start3A_180 = tpu.memref_slice %arg8[%dma_start3A_178, %dma_start3A_179] : memref<1664x32xf32, #tpu.memory_space<vmem>> -> memref<128x32xf32, #tpu.memory_space<vmem>>
      %dma_start3A_181 = arith.constant 1408 : i32
      %dma_start3A_182 = tpu.memref_slice %arg7[%dma_start3A_181] : memref<1664xi32, #tpu.memory_space<vmem>> -> memref<128xi32, #tpu.memory_space<vmem>>
      %dma_start3A_183 = arith.constant 0 : i32
      %dma_start3A_184 = arith.constant 0 : i32
      %dma_start3A_185 = tpu.memref_slice %arg5[%dma_start3A_183, %dma_start3A_184] : memref<1000000x32xf32, #tpu.memory_space<hbm>> -> memref<1000000x32xf32, #tpu.memory_space<hbm>>
      tpu.enqueue_indirect_dma source(%dma_start3A_185 : memref<1000000x32xf32, #tpu.memory_space<hbm>>) target(%dma_start3A_180 : memref<128x32xf32, #tpu.memory_space<vmem>>) offsets(%dma_start3A_182 : memref<128xi32, #tpu.memory_space<vmem>>) semaphore(%arg12 : memref<!tpu.dma_semaphore, #tpu.memory_space<semaphore_mem>>)
      %dma_start3A_186 = arith.constant 1408 : i32
      %dma_start3A_187 = tpu.memref_slice %arg9[%dma_start3A_186] : memref<1680xf32, #tpu.memory_space<vmem>> -> memref<128xf32, #tpu.memory_space<vmem>>
      %dma_start3A_188 = arith.constant 1408 : i32
      %dma_start3A_189 = tpu.memref_slice %arg7[%dma_start3A_188] : memref<1664xi32, #tpu.memory_space<vmem>> -> memref<128xi32, #tpu.memory_space<vmem>>
      %dma_start3A_190 = arith.constant 0 : i32
      %dma_start3A_191 = tpu.memref_slice %arg4[%dma_start3A_190] : memref<1000000xf32, #tpu.memory_space<hbm>> -> memref<1000000xf32, #tpu.memory_space<hbm>>
      tpu.enqueue_indirect_dma source(%dma_start3A_191 : memref<1000000xf32, #tpu.memory_space<hbm>>) target(%dma_start3A_187 : memref<128xf32, #tpu.memory_space<vmem>>) offsets(%dma_start3A_189 : memref<128xi32, #tpu.memory_space<vmem>>) semaphore(%arg13 : memref<!tpu.dma_semaphore, #tpu.memory_space<semaphore_mem>>)
      %dma_start3A_192 = arith.constant 1536 : i32
      %dma_start3A_193 = arith.constant 0 : i32
      %dma_start3A_194 = tpu.memref_slice %arg8[%dma_start3A_192, %dma_start3A_193] : memref<1664x32xf32, #tpu.memory_space<vmem>> -> memref<128x32xf32, #tpu.memory_space<vmem>>
      %dma_start3A_195 = arith.constant 1536 : i32
      %dma_start3A_196 = tpu.memref_slice %arg7[%dma_start3A_195] : memref<1664xi32, #tpu.memory_space<vmem>> -> memref<128xi32, #tpu.memory_space<vmem>>
      %dma_start3A_197 = arith.constant 0 : i32
      %dma_start3A_198 = arith.constant 0 : i32
      %dma_start3A_199 = tpu.memref_slice %arg5[%dma_start3A_197, %dma_start3A_198] : memref<1000000x32xf32, #tpu.memory_space<hbm>> -> memref<1000000x32xf32, #tpu.memory_space<hbm>>
      tpu.enqueue_indirect_dma source(%dma_start3A_199 : memref<1000000x32xf32, #tpu.memory_space<hbm>>) target(%dma_start3A_194 : memref<128x32xf32, #tpu.memory_space<vmem>>) offsets(%dma_start3A_196 : memref<128xi32, #tpu.memory_space<vmem>>) semaphore(%arg12 : memref<!tpu.dma_semaphore, #tpu.memory_space<semaphore_mem>>)
      %dma_start3A_200 = arith.constant 1536 : i32
      %dma_start3A_201 = tpu.memref_slice %arg9[%dma_start3A_200] : memref<1680xf32, #tpu.memory_space<vmem>> -> memref<128xf32, #tpu.memory_space<vmem>>
      %dma_start3A_202 = arith.constant 1536 : i32
      %dma_start3A_203 = tpu.memref_slice %arg7[%dma_start3A_202] : memref<1664xi32, #tpu.memory_space<vmem>> -> memref<128xi32, #tpu.memory_space<vmem>>
      %dma_start3A_204 = arith.constant 0 : i32
      %dma_start3A_205 = tpu.memref_slice %arg4[%dma_start3A_204] : memref<1000000xf32, #tpu.memory_space<hbm>> -> memref<1000000xf32, #tpu.memory_space<hbm>>
      tpu.enqueue_indirect_dma source(%dma_start3A_205 : memref<1000000xf32, #tpu.memory_space<hbm>>) target(%dma_start3A_201 : memref<128xf32, #tpu.memory_space<vmem>>) offsets(%dma_start3A_203 : memref<128xi32, #tpu.memory_space<vmem>>) semaphore(%arg13 : memref<!tpu.dma_semaphore, #tpu.memory_space<semaphore_mem>>)
      %dma_wait3A = arith.constant 0 : i32
      %dma_wait3A_206 = arith.constant 0 : i32
      %dma_wait3A_207 = tpu.memref_slice %arg8[%dma_wait3A, %dma_wait3A_206] : memref<1664x32xf32, #tpu.memory_space<vmem>> -> memref<128x32xf32, #tpu.memory_space<vmem>>
      %dma_wait3A_208 = arith.constant 0 : i32
      %dma_wait3A_209 = tpu.memref_slice %arg7[%dma_wait3A_208] : memref<1664xi32, #tpu.memory_space<vmem>> -> memref<128xi32, #tpu.memory_space<vmem>>
      %dma_wait3A_210 = arith.constant 0 : i32
      %dma_wait3A_211 = arith.constant 0 : i32
      %dma_wait3A_212 = tpu.memref_slice %arg5[%dma_wait3A_210, %dma_wait3A_211] : memref<1000000x32xf32, #tpu.memory_space<hbm>> -> memref<1000000x32xf32, #tpu.memory_space<hbm>>
      tpu.wait_indirect_dma semaphore(%arg12 : memref<!tpu.dma_semaphore, #tpu.memory_space<semaphore_mem>>) src(%dma_wait3A_212 : memref<1000000x32xf32, #tpu.memory_space<hbm>>) dst(%dma_wait3A_207 : memref<128x32xf32, #tpu.memory_space<vmem>>)
      %dma_wait3A_213 = arith.constant 0 : i32
      %dma_wait3A_214 = tpu.memref_slice %arg9[%dma_wait3A_213] : memref<1680xf32, #tpu.memory_space<vmem>> -> memref<128xf32, #tpu.memory_space<vmem>>
      %dma_wait3A_215 = arith.constant 0 : i32
      %dma_wait3A_216 = tpu.memref_slice %arg7[%dma_wait3A_215] : memref<1664xi32, #tpu.memory_space<vmem>> -> memref<128xi32, #tpu.memory_space<vmem>>
      %dma_wait3A_217 = arith.constant 0 : i32
      %dma_wait3A_218 = tpu.memref_slice %arg4[%dma_wait3A_217] : memref<1000000xf32, #tpu.memory_space<hbm>> -> memref<1000000xf32, #tpu.memory_space<hbm>>
      tpu.wait_indirect_dma semaphore(%arg13 : memref<!tpu.dma_semaphore, #tpu.memory_space<semaphore_mem>>) src(%dma_wait3A_218 : memref<1000000xf32, #tpu.memory_space<hbm>>) dst(%dma_wait3A_214 : memref<128xf32, #tpu.memory_space<vmem>>)
      %dma_wait3A_219 = arith.constant 128 : i32
      %dma_wait3A_220 = arith.constant 0 : i32
      %dma_wait3A_221 = tpu.memref_slice %arg8[%dma_wait3A_219, %dma_wait3A_220] : memref<1664x32xf32, #tpu.memory_space<vmem>> -> memref<128x32xf32, #tpu.memory_space<vmem>>
      %dma_wait3A_222 = arith.constant 128 : i32
      %dma_wait3A_223 = tpu.memref_slice %arg7[%dma_wait3A_222] : memref<1664xi32, #tpu.memory_space<vmem>> -> memref<128xi32, #tpu.memory_space<vmem>>
      %dma_wait3A_224 = arith.constant 0 : i32
      %dma_wait3A_225 = arith.constant 0 : i32
      %dma_wait3A_226 = tpu.memref_slice %arg5[%dma_wait3A_224, %dma_wait3A_225] : memref<1000000x32xf32, #tpu.memory_space<hbm>> -> memref<1000000x32xf32, #tpu.memory_space<hbm>>
      tpu.wait_indirect_dma semaphore(%arg12 : memref<!tpu.dma_semaphore, #tpu.memory_space<semaphore_mem>>) src(%dma_wait3A_226 : memref<1000000x32xf32, #tpu.memory_space<hbm>>) dst(%dma_wait3A_221 : memref<128x32xf32, #tpu.memory_space<vmem>>)
      %dma_wait3A_227 = arith.constant 128 : i32
      %dma_wait3A_228 = tpu.memref_slice %arg9[%dma_wait3A_227] : memref<1680xf32, #tpu.memory_space<vmem>> -> memref<128xf32, #tpu.memory_space<vmem>>
      %dma_wait3A_229 = arith.constant 128 : i32
      %dma_wait3A_230 = tpu.memref_slice %arg7[%dma_wait3A_229] : memref<1664xi32, #tpu.memory_space<vmem>> -> memref<128xi32, #tpu.memory_space<vmem>>
      %dma_wait3A_231 = arith.constant 0 : i32
      %dma_wait3A_232 = tpu.memref_slice %arg4[%dma_wait3A_231] : memref<1000000xf32, #tpu.memory_space<hbm>> -> memref<1000000xf32, #tpu.memory_space<hbm>>
      tpu.wait_indirect_dma semaphore(%arg13 : memref<!tpu.dma_semaphore, #tpu.memory_space<semaphore_mem>>) src(%dma_wait3A_232 : memref<1000000xf32, #tpu.memory_space<hbm>>) dst(%dma_wait3A_228 : memref<128xf32, #tpu.memory_space<vmem>>)
      %dma_wait3A_233 = arith.constant 256 : i32
      %dma_wait3A_234 = arith.constant 0 : i32
      %dma_wait3A_235 = tpu.memref_slice %arg8[%dma_wait3A_233, %dma_wait3A_234] : memref<1664x32xf32, #tpu.memory_space<vmem>> -> memref<128x32xf32, #tpu.memory_space<vmem>>
      %dma_wait3A_236 = arith.constant 256 : i32
      %dma_wait3A_237 = tpu.memref_slice %arg7[%dma_wait3A_236] : memref<1664xi32, #tpu.memory_space<vmem>> -> memref<128xi32, #tpu.memory_space<vmem>>
      %dma_wait3A_238 = arith.constant 0 : i32
      %dma_wait3A_239 = arith.constant 0 : i32
      %dma_wait3A_240 = tpu.memref_slice %arg5[%dma_wait3A_238, %dma_wait3A_239] : memref<1000000x32xf32, #tpu.memory_space<hbm>> -> memref<1000000x32xf32, #tpu.memory_space<hbm>>
      tpu.wait_indirect_dma semaphore(%arg12 : memref<!tpu.dma_semaphore, #tpu.memory_space<semaphore_mem>>) src(%dma_wait3A_240 : memref<1000000x32xf32, #tpu.memory_space<hbm>>) dst(%dma_wait3A_235 : memref<128x32xf32, #tpu.memory_space<vmem>>)
      %dma_wait3A_241 = arith.constant 256 : i32
      %dma_wait3A_242 = tpu.memref_slice %arg9[%dma_wait3A_241] : memref<1680xf32, #tpu.memory_space<vmem>> -> memref<128xf32, #tpu.memory_space<vmem>>
      %dma_wait3A_243 = arith.constant 256 : i32
      %dma_wait3A_244 = tpu.memref_slice %arg7[%dma_wait3A_243] : memref<1664xi32, #tpu.memory_space<vmem>> -> memref<128xi32, #tpu.memory_space<vmem>>
      %dma_wait3A_245 = arith.constant 0 : i32
      %dma_wait3A_246 = tpu.memref_slice %arg4[%dma_wait3A_245] : memref<1000000xf32, #tpu.memory_space<hbm>> -> memref<1000000xf32, #tpu.memory_space<hbm>>
      tpu.wait_indirect_dma semaphore(%arg13 : memref<!tpu.dma_semaphore, #tpu.memory_space<semaphore_mem>>) src(%dma_wait3A_246 : memref<1000000xf32, #tpu.memory_space<hbm>>) dst(%dma_wait3A_242 : memref<128xf32, #tpu.memory_space<vmem>>)
      %dma_wait3A_247 = arith.constant 384 : i32
      %dma_wait3A_248 = arith.constant 0 : i32
      %dma_wait3A_249 = tpu.memref_slice %arg8[%dma_wait3A_247, %dma_wait3A_248] : memref<1664x32xf32, #tpu.memory_space<vmem>> -> memref<128x32xf32, #tpu.memory_space<vmem>>
      %dma_wait3A_250 = arith.constant 384 : i32
      %dma_wait3A_251 = tpu.memref_slice %arg7[%dma_wait3A_250] : memref<1664xi32, #tpu.memory_space<vmem>> -> memref<128xi32, #tpu.memory_space<vmem>>
      %dma_wait3A_252 = arith.constant 0 : i32
      %dma_wait3A_253 = arith.constant 0 : i32
      %dma_wait3A_254 = tpu.memref_slice %arg5[%dma_wait3A_252, %dma_wait3A_253] : memref<1000000x32xf32, #tpu.memory_space<hbm>> -> memref<1000000x32xf32, #tpu.memory_space<hbm>>
      tpu.wait_indirect_dma semaphore(%arg12 : memref<!tpu.dma_semaphore, #tpu.memory_space<semaphore_mem>>) src(%dma_wait3A_254 : memref<1000000x32xf32, #tpu.memory_space<hbm>>) dst(%dma_wait3A_249 : memref<128x32xf32, #tpu.memory_space<vmem>>)
      %dma_wait3A_255 = arith.constant 384 : i32
      %dma_wait3A_256 = tpu.memref_slice %arg9[%dma_wait3A_255] : memref<1680xf32, #tpu.memory_space<vmem>> -> memref<128xf32, #tpu.memory_space<vmem>>
      %dma_wait3A_257 = arith.constant 384 : i32
      %dma_wait3A_258 = tpu.memref_slice %arg7[%dma_wait3A_257] : memref<1664xi32, #tpu.memory_space<vmem>> -> memref<128xi32, #tpu.memory_space<vmem>>
      %dma_wait3A_259 = arith.constant 0 : i32
      %dma_wait3A_260 = tpu.memref_slice %arg4[%dma_wait3A_259] : memref<1000000xf32, #tpu.memory_space<hbm>> -> memref<1000000xf32, #tpu.memory_space<hbm>>
      tpu.wait_indirect_dma semaphore(%arg13 : memref<!tpu.dma_semaphore, #tpu.memory_space<semaphore_mem>>) src(%dma_wait3A_260 : memref<1000000xf32, #tpu.memory_space<hbm>>) dst(%dma_wait3A_256 : memref<128xf32, #tpu.memory_space<vmem>>)
      %dma_wait3A_261 = arith.constant 512 : i32
      %dma_wait3A_262 = arith.constant 0 : i32
      %dma_wait3A_263 = tpu.memref_slice %arg8[%dma_wait3A_261, %dma_wait3A_262] : memref<1664x32xf32, #tpu.memory_space<vmem>> -> memref<128x32xf32, #tpu.memory_space<vmem>>
      %dma_wait3A_264 = arith.constant 512 : i32
      %dma_wait3A_265 = tpu.memref_slice %arg7[%dma_wait3A_264] : memref<1664xi32, #tpu.memory_space<vmem>> -> memref<128xi32, #tpu.memory_space<vmem>>
      %dma_wait3A_266 = arith.constant 0 : i32
      %dma_wait3A_267 = arith.constant 0 : i32
      %dma_wait3A_268 = tpu.memref_slice %arg5[%dma_wait3A_266, %dma_wait3A_267] : memref<1000000x32xf32, #tpu.memory_space<hbm>> -> memref<1000000x32xf32, #tpu.memory_space<hbm>>
      tpu.wait_indirect_dma semaphore(%arg12 : memref<!tpu.dma_semaphore, #tpu.memory_space<semaphore_mem>>) src(%dma_wait3A_268 : memref<1000000x32xf32, #tpu.memory_space<hbm>>) dst(%dma_wait3A_263 : memref<128x32xf32, #tpu.memory_space<vmem>>)
      %dma_wait3A_269 = arith.constant 512 : i32
      %dma_wait3A_270 = tpu.memref_slice %arg9[%dma_wait3A_269] : memref<1680xf32, #tpu.memory_space<vmem>> -> memref<128xf32, #tpu.memory_space<vmem>>
      %dma_wait3A_271 = arith.constant 512 : i32
      %dma_wait3A_272 = tpu.memref_slice %arg7[%dma_wait3A_271] : memref<1664xi32, #tpu.memory_space<vmem>> -> memref<128xi32, #tpu.memory_space<vmem>>
      %dma_wait3A_273 = arith.constant 0 : i32
      %dma_wait3A_274 = tpu.memref_slice %arg4[%dma_wait3A_273] : memref<1000000xf32, #tpu.memory_space<hbm>> -> memref<1000000xf32, #tpu.memory_space<hbm>>
      tpu.wait_indirect_dma semaphore(%arg13 : memref<!tpu.dma_semaphore, #tpu.memory_space<semaphore_mem>>) src(%dma_wait3A_274 : memref<1000000xf32, #tpu.memory_space<hbm>>) dst(%dma_wait3A_270 : memref<128xf32, #tpu.memory_space<vmem>>)
      %dma_wait3A_275 = arith.constant 640 : i32
      %dma_wait3A_276 = arith.constant 0 : i32
      %dma_wait3A_277 = tpu.memref_slice %arg8[%dma_wait3A_275, %dma_wait3A_276] : memref<1664x32xf32, #tpu.memory_space<vmem>> -> memref<128x32xf32, #tpu.memory_space<vmem>>
      %dma_wait3A_278 = arith.constant 640 : i32
      %dma_wait3A_279 = tpu.memref_slice %arg7[%dma_wait3A_278] : memref<1664xi32, #tpu.memory_space<vmem>> -> memref<128xi32, #tpu.memory_space<vmem>>
      %dma_wait3A_280 = arith.constant 0 : i32
      %dma_wait3A_281 = arith.constant 0 : i32
      %dma_wait3A_282 = tpu.memref_slice %arg5[%dma_wait3A_280, %dma_wait3A_281] : memref<1000000x32xf32, #tpu.memory_space<hbm>> -> memref<1000000x32xf32, #tpu.memory_space<hbm>>
      tpu.wait_indirect_dma semaphore(%arg12 : memref<!tpu.dma_semaphore, #tpu.memory_space<semaphore_mem>>) src(%dma_wait3A_282 : memref<1000000x32xf32, #tpu.memory_space<hbm>>) dst(%dma_wait3A_277 : memref<128x32xf32, #tpu.memory_space<vmem>>)
      %dma_wait3A_283 = arith.constant 640 : i32
      %dma_wait3A_284 = tpu.memref_slice %arg9[%dma_wait3A_283] : memref<1680xf32, #tpu.memory_space<vmem>> -> memref<128xf32, #tpu.memory_space<vmem>>
      %dma_wait3A_285 = arith.constant 640 : i32
      %dma_wait3A_286 = tpu.memref_slice %arg7[%dma_wait3A_285] : memref<1664xi32, #tpu.memory_space<vmem>> -> memref<128xi32, #tpu.memory_space<vmem>>
      %dma_wait3A_287 = arith.constant 0 : i32
      %dma_wait3A_288 = tpu.memref_slice %arg4[%dma_wait3A_287] : memref<1000000xf32, #tpu.memory_space<hbm>> -> memref<1000000xf32, #tpu.memory_space<hbm>>
      tpu.wait_indirect_dma semaphore(%arg13 : memref<!tpu.dma_semaphore, #tpu.memory_space<semaphore_mem>>) src(%dma_wait3A_288 : memref<1000000xf32, #tpu.memory_space<hbm>>) dst(%dma_wait3A_284 : memref<128xf32, #tpu.memory_space<vmem>>)
      %dma_wait3A_289 = arith.constant 768 : i32
      %dma_wait3A_290 = arith.constant 0 : i32
      %dma_wait3A_291 = tpu.memref_slice %arg8[%dma_wait3A_289, %dma_wait3A_290] : memref<1664x32xf32, #tpu.memory_space<vmem>> -> memref<128x32xf32, #tpu.memory_space<vmem>>
      %dma_wait3A_292 = arith.constant 768 : i32
      %dma_wait3A_293 = tpu.memref_slice %arg7[%dma_wait3A_292] : memref<1664xi32, #tpu.memory_space<vmem>> -> memref<128xi32, #tpu.memory_space<vmem>>
      %dma_wait3A_294 = arith.constant 0 : i32
      %dma_wait3A_295 = arith.constant 0 : i32
      %dma_wait3A_296 = tpu.memref_slice %arg5[%dma_wait3A_294, %dma_wait3A_295] : memref<1000000x32xf32, #tpu.memory_space<hbm>> -> memref<1000000x32xf32, #tpu.memory_space<hbm>>
      tpu.wait_indirect_dma semaphore(%arg12 : memref<!tpu.dma_semaphore, #tpu.memory_space<semaphore_mem>>) src(%dma_wait3A_296 : memref<1000000x32xf32, #tpu.memory_space<hbm>>) dst(%dma_wait3A_291 : memref<128x32xf32, #tpu.memory_space<vmem>>)
      %dma_wait3A_297 = arith.constant 768 : i32
      %dma_wait3A_298 = tpu.memref_slice %arg9[%dma_wait3A_297] : memref<1680xf32, #tpu.memory_space<vmem>> -> memref<128xf32, #tpu.memory_space<vmem>>
      %dma_wait3A_299 = arith.constant 768 : i32
      %dma_wait3A_300 = tpu.memref_slice %arg7[%dma_wait3A_299] : memref<1664xi32, #tpu.memory_space<vmem>> -> memref<128xi32, #tpu.memory_space<vmem>>
      %dma_wait3A_301 = arith.constant 0 : i32
      %dma_wait3A_302 = tpu.memref_slice %arg4[%dma_wait3A_301] : memref<1000000xf32, #tpu.memory_space<hbm>> -> memref<1000000xf32, #tpu.memory_space<hbm>>
      tpu.wait_indirect_dma semaphore(%arg13 : memref<!tpu.dma_semaphore, #tpu.memory_space<semaphore_mem>>) src(%dma_wait3A_302 : memref<1000000xf32, #tpu.memory_space<hbm>>) dst(%dma_wait3A_298 : memref<128xf32, #tpu.memory_space<vmem>>)
      %dma_wait3A_303 = arith.constant 896 : i32
      %dma_wait3A_304 = arith.constant 0 : i32
      %dma_wait3A_305 = tpu.memref_slice %arg8[%dma_wait3A_303, %dma_wait3A_304] : memref<1664x32xf32, #tpu.memory_space<vmem>> -> memref<128x32xf32, #tpu.memory_space<vmem>>
      %dma_wait3A_306 = arith.constant 896 : i32
      %dma_wait3A_307 = tpu.memref_slice %arg7[%dma_wait3A_306] : memref<1664xi32, #tpu.memory_space<vmem>> -> memref<128xi32, #tpu.memory_space<vmem>>
      %dma_wait3A_308 = arith.constant 0 : i32
      %dma_wait3A_309 = arith.constant 0 : i32
      %dma_wait3A_310 = tpu.memref_slice %arg5[%dma_wait3A_308, %dma_wait3A_309] : memref<1000000x32xf32, #tpu.memory_space<hbm>> -> memref<1000000x32xf32, #tpu.memory_space<hbm>>
      tpu.wait_indirect_dma semaphore(%arg12 : memref<!tpu.dma_semaphore, #tpu.memory_space<semaphore_mem>>) src(%dma_wait3A_310 : memref<1000000x32xf32, #tpu.memory_space<hbm>>) dst(%dma_wait3A_305 : memref<128x32xf32, #tpu.memory_space<vmem>>)
      %dma_wait3A_311 = arith.constant 896 : i32
      %dma_wait3A_312 = tpu.memref_slice %arg9[%dma_wait3A_311] : memref<1680xf32, #tpu.memory_space<vmem>> -> memref<128xf32, #tpu.memory_space<vmem>>
      %dma_wait3A_313 = arith.constant 896 : i32
      %dma_wait3A_314 = tpu.memref_slice %arg7[%dma_wait3A_313] : memref<1664xi32, #tpu.memory_space<vmem>> -> memref<128xi32, #tpu.memory_space<vmem>>
      %dma_wait3A_315 = arith.constant 0 : i32
      %dma_wait3A_316 = tpu.memref_slice %arg4[%dma_wait3A_315] : memref<1000000xf32, #tpu.memory_space<hbm>> -> memref<1000000xf32, #tpu.memory_space<hbm>>
      tpu.wait_indirect_dma semaphore(%arg13 : memref<!tpu.dma_semaphore, #tpu.memory_space<semaphore_mem>>) src(%dma_wait3A_316 : memref<1000000xf32, #tpu.memory_space<hbm>>) dst(%dma_wait3A_312 : memref<128xf32, #tpu.memory_space<vmem>>)
      %dma_wait3A_317 = arith.constant 1024 : i32
      %dma_wait3A_318 = arith.constant 0 : i32
      %dma_wait3A_319 = tpu.memref_slice %arg8[%dma_wait3A_317, %dma_wait3A_318] : memref<1664x32xf32, #tpu.memory_space<vmem>> -> memref<128x32xf32, #tpu.memory_space<vmem>>
      %dma_wait3A_320 = arith.constant 1024 : i32
      %dma_wait3A_321 = tpu.memref_slice %arg7[%dma_wait3A_320] : memref<1664xi32, #tpu.memory_space<vmem>> -> memref<128xi32, #tpu.memory_space<vmem>>
      %dma_wait3A_322 = arith.constant 0 : i32
      %dma_wait3A_323 = arith.constant 0 : i32
      %dma_wait3A_324 = tpu.memref_slice %arg5[%dma_wait3A_322, %dma_wait3A_323] : memref<1000000x32xf32, #tpu.memory_space<hbm>> -> memref<1000000x32xf32, #tpu.memory_space<hbm>>
      tpu.wait_indirect_dma semaphore(%arg12 : memref<!tpu.dma_semaphore, #tpu.memory_space<semaphore_mem>>) src(%dma_wait3A_324 : memref<1000000x32xf32, #tpu.memory_space<hbm>>) dst(%dma_wait3A_319 : memref<128x32xf32, #tpu.memory_space<vmem>>)
      %dma_wait3A_325 = arith.constant 1024 : i32
      %dma_wait3A_326 = tpu.memref_slice %arg9[%dma_wait3A_325] : memref<1680xf32, #tpu.memory_space<vmem>> -> memref<128xf32, #tpu.memory_space<vmem>>
      %dma_wait3A_327 = arith.constant 1024 : i32
      %dma_wait3A_328 = tpu.memref_slice %arg7[%dma_wait3A_327] : memref<1664xi32, #tpu.memory_space<vmem>> -> memref<128xi32, #tpu.memory_space<vmem>>
      %dma_wait3A_329 = arith.constant 0 : i32
      %dma_wait3A_330 = tpu.memref_slice %arg4[%dma_wait3A_329] : memref<1000000xf32, #tpu.memory_space<hbm>> -> memref<1000000xf32, #tpu.memory_space<hbm>>
      tpu.wait_indirect_dma semaphore(%arg13 : memref<!tpu.dma_semaphore, #tpu.memory_space<semaphore_mem>>) src(%dma_wait3A_330 : memref<1000000xf32, #tpu.memory_space<hbm>>) dst(%dma_wait3A_326 : memref<128xf32, #tpu.memory_space<vmem>>)
      %dma_wait3A_331 = arith.constant 1152 : i32
      %dma_wait3A_332 = arith.constant 0 : i32
      %dma_wait3A_333 = tpu.memref_slice %arg8[%dma_wait3A_331, %dma_wait3A_332] : memref<1664x32xf32, #tpu.memory_space<vmem>> -> memref<128x32xf32, #tpu.memory_space<vmem>>
      %dma_wait3A_334 = arith.constant 1152 : i32
      %dma_wait3A_335 = tpu.memref_slice %arg7[%dma_wait3A_334] : memref<1664xi32, #tpu.memory_space<vmem>> -> memref<128xi32, #tpu.memory_space<vmem>>
      %dma_wait3A_336 = arith.constant 0 : i32
      %dma_wait3A_337 = arith.constant 0 : i32
      %dma_wait3A_338 = tpu.memref_slice %arg5[%dma_wait3A_336, %dma_wait3A_337] : memref<1000000x32xf32, #tpu.memory_space<hbm>> -> memref<1000000x32xf32, #tpu.memory_space<hbm>>
      tpu.wait_indirect_dma semaphore(%arg12 : memref<!tpu.dma_semaphore, #tpu.memory_space<semaphore_mem>>) src(%dma_wait3A_338 : memref<1000000x32xf32, #tpu.memory_space<hbm>>) dst(%dma_wait3A_333 : memref<128x32xf32, #tpu.memory_space<vmem>>)
      %dma_wait3A_339 = arith.constant 1152 : i32
      %dma_wait3A_340 = tpu.memref_slice %arg9[%dma_wait3A_339] : memref<1680xf32, #tpu.memory_space<vmem>> -> memref<128xf32, #tpu.memory_space<vmem>>
      %dma_wait3A_341 = arith.constant 1152 : i32
      %dma_wait3A_342 = tpu.memref_slice %arg7[%dma_wait3A_341] : memref<1664xi32, #tpu.memory_space<vmem>> -> memref<128xi32, #tpu.memory_space<vmem>>
      %dma_wait3A_343 = arith.constant 0 : i32
      %dma_wait3A_344 = tpu.memref_slice %arg4[%dma_wait3A_343] : memref<1000000xf32, #tpu.memory_space<hbm>> -> memref<1000000xf32, #tpu.memory_space<hbm>>
      tpu.wait_indirect_dma semaphore(%arg13 : memref<!tpu.dma_semaphore, #tpu.memory_space<semaphore_mem>>) src(%dma_wait3A_344 : memref<1000000xf32, #tpu.memory_space<hbm>>) dst(%dma_wait3A_340 : memref<128xf32, #tpu.memory_space<vmem>>)
      %dma_wait3A_345 = arith.constant 1280 : i32
      %dma_wait3A_346 = arith.constant 0 : i32
      %dma_wait3A_347 = tpu.memref_slice %arg8[%dma_wait3A_345, %dma_wait3A_346] : memref<1664x32xf32, #tpu.memory_space<vmem>> -> memref<128x32xf32, #tpu.memory_space<vmem>>
      %dma_wait3A_348 = arith.constant 1280 : i32
      %dma_wait3A_349 = tpu.memref_slice %arg7[%dma_wait3A_348] : memref<1664xi32, #tpu.memory_space<vmem>> -> memref<128xi32, #tpu.memory_space<vmem>>
      %dma_wait3A_350 = arith.constant 0 : i32
      %dma_wait3A_351 = arith.constant 0 : i32
      %dma_wait3A_352 = tpu.memref_slice %arg5[%dma_wait3A_350, %dma_wait3A_351] : memref<1000000x32xf32, #tpu.memory_space<hbm>> -> memref<1000000x32xf32, #tpu.memory_space<hbm>>
      tpu.wait_indirect_dma semaphore(%arg12 : memref<!tpu.dma_semaphore, #tpu.memory_space<semaphore_mem>>) src(%dma_wait3A_352 : memref<1000000x32xf32, #tpu.memory_space<hbm>>) dst(%dma_wait3A_347 : memref<128x32xf32, #tpu.memory_space<vmem>>)
      %dma_wait3A_353 = arith.constant 1280 : i32
      %dma_wait3A_354 = tpu.memref_slice %arg9[%dma_wait3A_353] : memref<1680xf32, #tpu.memory_space<vmem>> -> memref<128xf32, #tpu.memory_space<vmem>>
      %dma_wait3A_355 = arith.constant 1280 : i32
      %dma_wait3A_356 = tpu.memref_slice %arg7[%dma_wait3A_355] : memref<1664xi32, #tpu.memory_space<vmem>> -> memref<128xi32, #tpu.memory_space<vmem>>
      %dma_wait3A_357 = arith.constant 0 : i32
      %dma_wait3A_358 = tpu.memref_slice %arg4[%dma_wait3A_357] : memref<1000000xf32, #tpu.memory_space<hbm>> -> memref<1000000xf32, #tpu.memory_space<hbm>>
      tpu.wait_indirect_dma semaphore(%arg13 : memref<!tpu.dma_semaphore, #tpu.memory_space<semaphore_mem>>) src(%dma_wait3A_358 : memref<1000000xf32, #tpu.memory_space<hbm>>) dst(%dma_wait3A_354 : memref<128xf32, #tpu.memory_space<vmem>>)
      %dma_wait3A_359 = arith.constant 1408 : i32
      %dma_wait3A_360 = arith.constant 0 : i32
      %dma_wait3A_361 = tpu.memref_slice %arg8[%dma_wait3A_359, %dma_wait3A_360] : memref<1664x32xf32, #tpu.memory_space<vmem>> -> memref<128x32xf32, #tpu.memory_space<vmem>>
      %dma_wait3A_362 = arith.constant 1408 : i32
      %dma_wait3A_363 = tpu.memref_slice %arg7[%dma_wait3A_362] : memref<1664xi32, #tpu.memory_space<vmem>> -> memref<128xi32, #tpu.memory_space<vmem>>
      %dma_wait3A_364 = arith.constant 0 : i32
      %dma_wait3A_365 = arith.constant 0 : i32
      %dma_wait3A_366 = tpu.memref_slice %arg5[%dma_wait3A_364, %dma_wait3A_365] : memref<1000000x32xf32, #tpu.memory_space<hbm>> -> memref<1000000x32xf32, #tpu.memory_space<hbm>>
      tpu.wait_indirect_dma semaphore(%arg12 : memref<!tpu.dma_semaphore, #tpu.memory_space<semaphore_mem>>) src(%dma_wait3A_366 : memref<1000000x32xf32, #tpu.memory_space<hbm>>) dst(%dma_wait3A_361 : memref<128x32xf32, #tpu.memory_space<vmem>>)
      %dma_wait3A_367 = arith.constant 1408 : i32
      %dma_wait3A_368 = tpu.memref_slice %arg9[%dma_wait3A_367] : memref<1680xf32, #tpu.memory_space<vmem>> -> memref<128xf32, #tpu.memory_space<vmem>>
      %dma_wait3A_369 = arith.constant 1408 : i32
      %dma_wait3A_370 = tpu.memref_slice %arg7[%dma_wait3A_369] : memref<1664xi32, #tpu.memory_space<vmem>> -> memref<128xi32, #tpu.memory_space<vmem>>
      %dma_wait3A_371 = arith.constant 0 : i32
      %dma_wait3A_372 = tpu.memref_slice %arg4[%dma_wait3A_371] : memref<1000000xf32, #tpu.memory_space<hbm>> -> memref<1000000xf32, #tpu.memory_space<hbm>>
      tpu.wait_indirect_dma semaphore(%arg13 : memref<!tpu.dma_semaphore, #tpu.memory_space<semaphore_mem>>) src(%dma_wait3A_372 : memref<1000000xf32, #tpu.memory_space<hbm>>) dst(%dma_wait3A_368 : memref<128xf32, #tpu.memory_space<vmem>>)
      %dma_wait3A_373 = arith.constant 1536 : i32
      %dma_wait3A_374 = arith.constant 0 : i32
      %dma_wait3A_375 = tpu.memref_slice %arg8[%dma_wait3A_373, %dma_wait3A_374] : memref<1664x32xf32, #tpu.memory_space<vmem>> -> memref<128x32xf32, #tpu.memory_space<vmem>>
      %dma_wait3A_376 = arith.constant 1536 : i32
      %dma_wait3A_377 = tpu.memref_slice %arg7[%dma_wait3A_376] : memref<1664xi32, #tpu.memory_space<vmem>> -> memref<128xi32, #tpu.memory_space<vmem>>
      %dma_wait3A_378 = arith.constant 0 : i32
      %dma_wait3A_379 = arith.constant 0 : i32
      %dma_wait3A_380 = tpu.memref_slice %arg5[%dma_wait3A_378, %dma_wait3A_379] : memref<1000000x32xf32, #tpu.memory_space<hbm>> -> memref<1000000x32xf32, #tpu.memory_space<hbm>>
      tpu.wait_indirect_dma semaphore(%arg12 : memref<!tpu.dma_semaphore, #tpu.memory_space<semaphore_mem>>) src(%dma_wait3A_380 : memref<1000000x32xf32, #tpu.memory_space<hbm>>) dst(%dma_wait3A_375 : memref<128x32xf32, #tpu.memory_space<vmem>>)
      %dma_wait3A_381 = arith.constant 1536 : i32
      %dma_wait3A_382 = tpu.memref_slice %arg9[%dma_wait3A_381] : memref<1680xf32, #tpu.memory_space<vmem>> -> memref<128xf32, #tpu.memory_space<vmem>>
      %dma_wait3A_383 = arith.constant 1536 : i32
      %dma_wait3A_384 = tpu.memref_slice %arg7[%dma_wait3A_383] : memref<1664xi32, #tpu.memory_space<vmem>> -> memref<128xi32, #tpu.memory_space<vmem>>
      %dma_wait3A_385 = arith.constant 0 : i32
      %dma_wait3A_386 = tpu.memref_slice %arg4[%dma_wait3A_385] : memref<1000000xf32, #tpu.memory_space<hbm>> -> memref<1000000xf32, #tpu.memory_space<hbm>>
      tpu.wait_indirect_dma semaphore(%arg13 : memref<!tpu.dma_semaphore, #tpu.memory_space<semaphore_mem>>) src(%dma_wait3A_386 : memref<1000000xf32, #tpu.memory_space<hbm>>) dst(%dma_wait3A_382 : memref<128xf32, #tpu.memory_space<vmem>>)
      %scan3A_387 = arith.constant 0 : i32
      %scan3A_388 = arith.constant 0 : i32
      %scan3A_389 = arith.constant 64 : i32
      %scan3A_390 = arith.addi %scan3A_388, %scan3A_389 : i32
      %scan3A_391 = arith.constant 1 : i32
      scf.for %scan3A_393 = %scan3A_388 to %scan3A_390 step %scan3A_391  : i32 {
        %mul3A_394 = arith.constant 26 : i32
        %mul3A_395 = arith.muli %scan3A_393, %mul3A_394 : i32
        %broadcast_in_dim3A_396 = arith.constant 0.000000e+00 : f32
        %broadcast_in_dim3A_397 = vector.broadcast %broadcast_in_dim3A_396 : f32 to vector<16xf32>
        %broadcast_in_dim3A_398 = arith.constant 0.000000e+00 : f32
        %broadcast_in_dim3A_399 = vector.broadcast %broadcast_in_dim3A_398 : f32 to vector<16xf32>
        %broadcast_in_dim3A_400 = arith.constant 0.000000e+00 : f32
        %broadcast_in_dim3A_401 = vector.broadcast %broadcast_in_dim3A_400 : f32 to vector<16xf32>
        %broadcast_in_dim3A_402 = arith.constant 0.000000e+00 : f32
        %broadcast_in_dim3A_403 = vector.broadcast %broadcast_in_dim3A_402 : f32 to vector<16xf32>
        %add3A_404 = arith.constant 0 : i32
        %add3A_405 = arith.addi %mul3A_395, %add3A_404 : i32
        %get3A_406 = arith.index_cast %add3A_405 : i32 to index
        %get3A_407 = arith.constant 0 : index
        %get3A_408 = tpu.vector_load %arg8[%get3A_406, %get3A_407] {strides = array<i32>} : memref<1664x32xf32, #tpu.memory_space<vmem>>, vector<16xf32>,
        %add3A_409 = arith.constant 0 : i32
        %add3A_410 = arith.addi %mul3A_395, %add3A_409 : i32
        %get3A_411 = arith.index_cast %add3A_410 : i32 to index
        %get3A_412 = arith.constant 16 : index
        %get3A_413 = tpu.vector_load %arg8[%get3A_411, %get3A_412] {strides = array<i32>} : memref<1664x32xf32, #tpu.memory_space<vmem>>, vector<16xf32>,
        %add3A_414 = arith.addf %broadcast_in_dim3A_397, %get3A_408 : vector<16xf32>
        %add3A_415 = arith.addf %broadcast_in_dim3A_399, %get3A_413 : vector<16xf32>
        %mul3A_416 = arith.mulf %get3A_408, %get3A_408 : vector<16xf32>
        %add3A_417 = arith.addf %broadcast_in_dim3A_401, %mul3A_416 : vector<16xf32>
        %mul3A_418 = arith.mulf %get3A_413, %get3A_413 : vector<16xf32>
        %add3A_419 = arith.addf %broadcast_in_dim3A_403, %mul3A_418 : vector<16xf32>
        %add3A_420 = arith.constant 1 : i32
        %add3A_421 = arith.addi %mul3A_395, %add3A_420 : i32
        %get3A_422 = arith.index_cast %add3A_421 : i32 to index
        %get3A_423 = arith.constant 0 : index
        %get3A_424 = tpu.vector_load %arg8[%get3A_422, %get3A_423] {strides = array<i32>} : memref<1664x32xf32, #tpu.memory_space<vmem>>, vector<16xf32>,
        %add3A_425 = arith.constant 1 : i32
        %add3A_426 = arith.addi %mul3A_395, %add3A_425 : i32
        %get3A_427 = arith.index_cast %add3A_426 : i32 to index
        %get3A_428 = arith.constant 16 : index
        %get3A_429 = tpu.vector_load %arg8[%get3A_427, %get3A_428] {strides = array<i32>} : memref<1664x32xf32, #tpu.memory_space<vmem>>, vector<16xf32>,
        %add3A_430 = arith.addf %add3A_414, %get3A_424 : vector<16xf32>
        %add3A_431 = arith.addf %add3A_415, %get3A_429 : vector<16xf32>
        %mul3A_432 = arith.mulf %get3A_424, %get3A_424 : vector<16xf32>
        %add3A_433 = arith.addf %add3A_417, %mul3A_432 : vector<16xf32>
        %mul3A_434 = arith.mulf %get3A_429, %get3A_429 : vector<16xf32>
        %add3A_435 = arith.addf %add3A_419, %mul3A_434 : vector<16xf32>
        %add3A_436 = arith.constant 2 : i32
        %add3A_437 = arith.addi %mul3A_395, %add3A_436 : i32
        %get3A_438 = arith.index_cast %add3A_437 : i32 to index
        %get3A_439 = arith.constant 0 : index
        %get3A_440 = tpu.vector_load %arg8[%get3A_438, %get3A_439] {strides = array<i32>} : memref<1664x32xf32, #tpu.memory_space<vmem>>, vector<16xf32>,
        %add3A_441 = arith.constant 2 : i32
        %add3A_442 = arith.addi %mul3A_395, %add3A_441 : i32
        %get3A_443 = arith.index_cast %add3A_442 : i32 to index
        %get3A_444 = arith.constant 16 : index
        %get3A_445 = tpu.vector_load %arg8[%get3A_443, %get3A_444] {strides = array<i32>} : memref<1664x32xf32, #tpu.memory_space<vmem>>, vector<16xf32>,
        %add3A_446 = arith.addf %add3A_430, %get3A_440 : vector<16xf32>
        %add3A_447 = arith.addf %add3A_431, %get3A_445 : vector<16xf32>
        %mul3A_448 = arith.mulf %get3A_440, %get3A_440 : vector<16xf32>
        %add3A_449 = arith.addf %add3A_433, %mul3A_448 : vector<16xf32>
        %mul3A_450 = arith.mulf %get3A_445, %get3A_445 : vector<16xf32>
        %add3A_451 = arith.addf %add3A_435, %mul3A_450 : vector<16xf32>
        %add3A_452 = arith.constant 3 : i32
        %add3A_453 = arith.addi %mul3A_395, %add3A_452 : i32
        %get3A_454 = arith.index_cast %add3A_453 : i32 to index
        %get3A_455 = arith.constant 0 : index
        %get3A_456 = tpu.vector_load %arg8[%get3A_454, %get3A_455] {strides = array<i32>} : memref<1664x32xf32, #tpu.memory_space<vmem>>, vector<16xf32>,
        %add3A_457 = arith.constant 3 : i32
        %add3A_458 = arith.addi %mul3A_395, %add3A_457 : i32
        %get3A_459 = arith.index_cast %add3A_458 : i32 to index
        %get3A_460 = arith.constant 16 : index
        %get3A_461 = tpu.vector_load %arg8[%get3A_459, %get3A_460] {strides = array<i32>} : memref<1664x32xf32, #tpu.memory_space<vmem>>, vector<16xf32>,
        %add3A_462 = arith.addf %add3A_446, %get3A_456 : vector<16xf32>
        %add3A_463 = arith.addf %add3A_447, %get3A_461 : vector<16xf32>
        %mul3A_464 = arith.mulf %get3A_456, %get3A_456 : vector<16xf32>
        %add3A_465 = arith.addf %add3A_449, %mul3A_464 : vector<16xf32>
        %mul3A_466 = arith.mulf %get3A_461, %get3A_461 : vector<16xf32>
        %add3A_467 = arith.addf %add3A_451, %mul3A_466 : vector<16xf32>
        %add3A_468 = arith.constant 4 : i32
        %add3A_469 = arith.addi %mul3A_395, %add3A_468 : i32
        %get3A_470 = arith.index_cast %add3A_469 : i32 to index
        %get3A_471 = arith.constant 0 : index
        %get3A_472 = tpu.vector_load %arg8[%get3A_470, %get3A_471] {strides = array<i32>} : memref<1664x32xf32, #tpu.memory_space<vmem>>, vector<16xf32>,
        %add3A_473 = arith.constant 4 : i32
        %add3A_474 = arith.addi %mul3A_395, %add3A_473 : i32
        %get3A_475 = arith.index_cast %add3A_474 : i32 to index
        %get3A_476 = arith.constant 16 : index
        %get3A_477 = tpu.vector_load %arg8[%get3A_475, %get3A_476] {strides = array<i32>} : memref<1664x32xf32, #tpu.memory_space<vmem>>, vector<16xf32>,
        %add3A_478 = arith.addf %add3A_462, %get3A_472 : vector<16xf32>
        %add3A_479 = arith.addf %add3A_463, %get3A_477 : vector<16xf32>
        %mul3A_480 = arith.mulf %get3A_472, %get3A_472 : vector<16xf32>
        %add3A_481 = arith.addf %add3A_465, %mul3A_480 : vector<16xf32>
        %mul3A_482 = arith.mulf %get3A_477, %get3A_477 : vector<16xf32>
        %add3A_483 = arith.addf %add3A_467, %mul3A_482 : vector<16xf32>
        %add3A_484 = arith.constant 5 : i32
        %add3A_485 = arith.addi %mul3A_395, %add3A_484 : i32
        %get3A_486 = arith.index_cast %add3A_485 : i32 to index
        %get3A_487 = arith.constant 0 : index
        %get3A_488 = tpu.vector_load %arg8[%get3A_486, %get3A_487] {strides = array<i32>} : memref<1664x32xf32, #tpu.memory_space<vmem>>, vector<16xf32>,
        %add3A_489 = arith.constant 5 : i32
        %add3A_490 = arith.addi %mul3A_395, %add3A_489 : i32
        %get3A_491 = arith.index_cast %add3A_490 : i32 to index
        %get3A_492 = arith.constant 16 : index
        %get3A_493 = tpu.vector_load %arg8[%get3A_491, %get3A_492] {strides = array<i32>} : memref<1664x32xf32, #tpu.memory_space<vmem>>, vector<16xf32>,
        %add3A_494 = arith.addf %add3A_478, %get3A_488 : vector<16xf32>
        %add3A_495 = arith.addf %add3A_479, %get3A_493 : vector<16xf32>
        %mul3A_496 = arith.mulf %get3A_488, %get3A_488 : vector<16xf32>
        %add3A_497 = arith.addf %add3A_481, %mul3A_496 : vector<16xf32>
        %mul3A_498 = arith.mulf %get3A_493, %get3A_493 : vector<16xf32>
        %add3A_499 = arith.addf %add3A_483, %mul3A_498 : vector<16xf32>
        %add3A_500 = arith.constant 6 : i32
        %add3A_501 = arith.addi %mul3A_395, %add3A_500 : i32
        %get3A_502 = arith.index_cast %add3A_501 : i32 to index
        %get3A_503 = arith.constant 0 : index
        %get3A_504 = tpu.vector_load %arg8[%get3A_502, %get3A_503] {strides = array<i32>} : memref<1664x32xf32, #tpu.memory_space<vmem>>, vector<16xf32>,
        %add3A_505 = arith.constant 6 : i32
        %add3A_506 = arith.addi %mul3A_395, %add3A_505 : i32
        %get3A_507 = arith.index_cast %add3A_506 : i32 to index
        %get3A_508 = arith.constant 16 : index
        %get3A_509 = tpu.vector_load %arg8[%get3A_507, %get3A_508] {strides = array<i32>} : memref<1664x32xf32, #tpu.memory_space<vmem>>, vector<16xf32>,
        %add3A_510 = arith.addf %add3A_494, %get3A_504 : vector<16xf32>
        %add3A_511 = arith.addf %add3A_495, %get3A_509 : vector<16xf32>
        %mul3A_512 = arith.mulf %get3A_504, %get3A_504 : vector<16xf32>
        %add3A_513 = arith.addf %add3A_497, %mul3A_512 : vector<16xf32>
        %mul3A_514 = arith.mulf %get3A_509, %get3A_509 : vector<16xf32>
        %add3A_515 = arith.addf %add3A_499, %mul3A_514 : vector<16xf32>
        %add3A_516 = arith.constant 7 : i32
        %add3A_517 = arith.addi %mul3A_395, %add3A_516 : i32
        %get3A_518 = arith.index_cast %add3A_517 : i32 to index
        %get3A_519 = arith.constant 0 : index
        %get3A_520 = tpu.vector_load %arg8[%get3A_518, %get3A_519] {strides = array<i32>} : memref<1664x32xf32, #tpu.memory_space<vmem>>, vector<16xf32>,
        %add3A_521 = arith.constant 7 : i32
        %add3A_522 = arith.addi %mul3A_395, %add3A_521 : i32
        %get3A_523 = arith.index_cast %add3A_522 : i32 to index
        %get3A_524 = arith.constant 16 : index
        %get3A_525 = tpu.vector_load %arg8[%get3A_523, %get3A_524] {strides = array<i32>} : memref<1664x32xf32, #tpu.memory_space<vmem>>, vector<16xf32>,
        %add3A_526 = arith.addf %add3A_510, %get3A_520 : vector<16xf32>
        %add3A_527 = arith.addf %add3A_511, %get3A_525 : vector<16xf32>
        %mul3A_528 = arith.mulf %get3A_520, %get3A_520 : vector<16xf32>
        %add3A_529 = arith.addf %add3A_513, %mul3A_528 : vector<16xf32>
        %mul3A_530 = arith.mulf %get3A_525, %get3A_525 : vector<16xf32>
        %add3A_531 = arith.addf %add3A_515, %mul3A_530 : vector<16xf32>
        %add3A_532 = arith.constant 8 : i32
        %add3A_533 = arith.addi %mul3A_395, %add3A_532 : i32
        %get3A_534 = arith.index_cast %add3A_533 : i32 to index
        %get3A_535 = arith.constant 0 : index
        %get3A_536 = tpu.vector_load %arg8[%get3A_534, %get3A_535] {strides = array<i32>} : memref<1664x32xf32, #tpu.memory_space<vmem>>, vector<16xf32>,
        %add3A_537 = arith.constant 8 : i32
        %add3A_538 = arith.addi %mul3A_395, %add3A_537 : i32
        %get3A_539 = arith.index_cast %add3A_538 : i32 to index
        %get3A_540 = arith.constant 16 : index
        %get3A_541 = tpu.vector_load %arg8[%get3A_539, %get3A_540] {strides = array<i32>} : memref<1664x32xf32, #tpu.memory_space<vmem>>, vector<16xf32>,
        %add3A_542 = arith.addf %add3A_526, %get3A_536 : vector<16xf32>
        %add3A_543 = arith.addf %add3A_527, %get3A_541 : vector<16xf32>
        %mul3A_544 = arith.mulf %get3A_536, %get3A_536 : vector<16xf32>
        %add3A_545 = arith.addf %add3A_529, %mul3A_544 : vector<16xf32>
        %mul3A_546 = arith.mulf %get3A_541, %get3A_541 : vector<16xf32>
        %add3A_547 = arith.addf %add3A_531, %mul3A_546 : vector<16xf32>
        %add3A_548 = arith.constant 9 : i32
        %add3A_549 = arith.addi %mul3A_395, %add3A_548 : i32
        %get3A_550 = arith.index_cast %add3A_549 : i32 to index
        %get3A_551 = arith.constant 0 : index
        %get3A_552 = tpu.vector_load %arg8[%get3A_550, %get3A_551] {strides = array<i32>} : memref<1664x32xf32, #tpu.memory_space<vmem>>, vector<16xf32>,
        %add3A_553 = arith.constant 9 : i32
        %add3A_554 = arith.addi %mul3A_395, %add3A_553 : i32
        %get3A_555 = arith.index_cast %add3A_554 : i32 to index
        %get3A_556 = arith.constant 16 : index
        %get3A_557 = tpu.vector_load %arg8[%get3A_555, %get3A_556] {strides = array<i32>} : memref<1664x32xf32, #tpu.memory_space<vmem>>, vector<16xf32>,
        %add3A_558 = arith.addf %add3A_542, %get3A_552 : vector<16xf32>
        %add3A_559 = arith.addf %add3A_543, %get3A_557 : vector<16xf32>
        %mul3A_560 = arith.mulf %get3A_552, %get3A_552 : vector<16xf32>
        %add3A_561 = arith.addf %add3A_545, %mul3A_560 : vector<16xf32>
        %mul3A_562 = arith.mulf %get3A_557, %get3A_557 : vector<16xf32>
        %add3A_563 = arith.addf %add3A_547, %mul3A_562 : vector<16xf32>
        %add3A_564 = arith.constant 10 : i32
        %add3A_565 = arith.addi %mul3A_395, %add3A_564 : i32
        %get3A_566 = arith.index_cast %add3A_565 : i32 to index
        %get3A_567 = arith.constant 0 : index
        %get3A_568 = tpu.vector_load %arg8[%get3A_566, %get3A_567] {strides = array<i32>} : memref<1664x32xf32, #tpu.memory_space<vmem>>, vector<16xf32>,
        %add3A_569 = arith.constant 10 : i32
        %add3A_570 = arith.addi %mul3A_395, %add3A_569 : i32
        %get3A_571 = arith.index_cast %add3A_570 : i32 to index
        %get3A_572 = arith.constant 16 : index
        %get3A_573 = tpu.vector_load %arg8[%get3A_571, %get3A_572] {strides = array<i32>} : memref<1664x32xf32, #tpu.memory_space<vmem>>, vector<16xf32>,
        %add3A_574 = arith.addf %add3A_558, %get3A_568 : vector<16xf32>
        %add3A_575 = arith.addf %add3A_559, %get3A_573 : vector<16xf32>
        %mul3A_576 = arith.mulf %get3A_568, %get3A_568 : vector<16xf32>
        %add3A_577 = arith.addf %add3A_561, %mul3A_576 : vector<16xf32>
        %mul3A_578 = arith.mulf %get3A_573, %get3A_573 : vector<16xf32>
        %add3A_579 = arith.addf %add3A_563, %mul3A_578 : vector<16xf32>
        %add3A_580 = arith.constant 11 : i32
        %add3A_581 = arith.addi %mul3A_395, %add3A_580 : i32
        %get3A_582 = arith.index_cast %add3A_581 : i32 to index
        %get3A_583 = arith.constant 0 : index
        %get3A_584 = tpu.vector_load %arg8[%get3A_582, %get3A_583] {strides = array<i32>} : memref<1664x32xf32, #tpu.memory_space<vmem>>, vector<16xf32>,
        %add3A_585 = arith.constant 11 : i32
        %add3A_586 = arith.addi %mul3A_395, %add3A_585 : i32
        %get3A_587 = arith.index_cast %add3A_586 : i32 to index
        %get3A_588 = arith.constant 16 : index
        %get3A_589 = tpu.vector_load %arg8[%get3A_587, %get3A_588] {strides = array<i32>} : memref<1664x32xf32, #tpu.memory_space<vmem>>, vector<16xf32>,
        %add3A_590 = arith.addf %add3A_574, %get3A_584 : vector<16xf32>
        %add3A_591 = arith.addf %add3A_575, %get3A_589 : vector<16xf32>
        %mul3A_592 = arith.mulf %get3A_584, %get3A_584 : vector<16xf32>
        %add3A_593 = arith.addf %add3A_577, %mul3A_592 : vector<16xf32>
        %mul3A_594 = arith.mulf %get3A_589, %get3A_589 : vector<16xf32>
        %add3A_595 = arith.addf %add3A_579, %mul3A_594 : vector<16xf32>
        %add3A_596 = arith.constant 12 : i32
        %add3A_597 = arith.addi %mul3A_395, %add3A_596 : i32
        %get3A_598 = arith.index_cast %add3A_597 : i32 to index
        %get3A_599 = arith.constant 0 : index
        %get3A_600 = tpu.vector_load %arg8[%get3A_598, %get3A_599] {strides = array<i32>} : memref<1664x32xf32, #tpu.memory_space<vmem>>, vector<16xf32>,
        %add3A_601 = arith.constant 12 : i32
        %add3A_602 = arith.addi %mul3A_395, %add3A_601 : i32
        %get3A_603 = arith.index_cast %add3A_602 : i32 to index
        %get3A_604 = arith.constant 16 : index
        %get3A_605 = tpu.vector_load %arg8[%get3A_603, %get3A_604] {strides = array<i32>} : memref<1664x32xf32, #tpu.memory_space<vmem>>, vector<16xf32>,
        %add3A_606 = arith.addf %add3A_590, %get3A_600 : vector<16xf32>
        %add3A_607 = arith.addf %add3A_591, %get3A_605 : vector<16xf32>
        %mul3A_608 = arith.mulf %get3A_600, %get3A_600 : vector<16xf32>
        %add3A_609 = arith.addf %add3A_593, %mul3A_608 : vector<16xf32>
        %mul3A_610 = arith.mulf %get3A_605, %get3A_605 : vector<16xf32>
        %add3A_611 = arith.addf %add3A_595, %mul3A_610 : vector<16xf32>
        %add3A_612 = arith.constant 13 : i32
        %add3A_613 = arith.addi %mul3A_395, %add3A_612 : i32
        %get3A_614 = arith.index_cast %add3A_613 : i32 to index
        %get3A_615 = arith.constant 0 : index
        %get3A_616 = tpu.vector_load %arg8[%get3A_614, %get3A_615] {strides = array<i32>} : memref<1664x32xf32, #tpu.memory_space<vmem>>, vector<16xf32>,
        %add3A_617 = arith.constant 13 : i32
        %add3A_618 = arith.addi %mul3A_395, %add3A_617 : i32
        %get3A_619 = arith.index_cast %add3A_618 : i32 to index
        %get3A_620 = arith.constant 16 : index
        %get3A_621 = tpu.vector_load %arg8[%get3A_619, %get3A_620] {strides = array<i32>} : memref<1664x32xf32, #tpu.memory_space<vmem>>, vector<16xf32>,
        %add3A_622 = arith.addf %add3A_606, %get3A_616 : vector<16xf32>
        %add3A_623 = arith.addf %add3A_607, %get3A_621 : vector<16xf32>
        %mul3A_624 = arith.mulf %get3A_616, %get3A_616 : vector<16xf32>
        %add3A_625 = arith.addf %add3A_609, %mul3A_624 : vector<16xf32>
        %mul3A_626 = arith.mulf %get3A_621, %get3A_621 : vector<16xf32>
        %add3A_627 = arith.addf %add3A_611, %mul3A_626 : vector<16xf32>
        %add3A_628 = arith.constant 14 : i32
        %add3A_629 = arith.addi %mul3A_395, %add3A_628 : i32
        %get3A_630 = arith.index_cast %add3A_629 : i32 to index
        %get3A_631 = arith.constant 0 : index
        %get3A_632 = tpu.vector_load %arg8[%get3A_630, %get3A_631] {strides = array<i32>} : memref<1664x32xf32, #tpu.memory_space<vmem>>, vector<16xf32>,
        %add3A_633 = arith.constant 14 : i32
        %add3A_634 = arith.addi %mul3A_395, %add3A_633 : i32
        %get3A_635 = arith.index_cast %add3A_634 : i32 to index
        %get3A_636 = arith.constant 16 : index
        %get3A_637 = tpu.vector_load %arg8[%get3A_635, %get3A_636] {strides = array<i32>} : memref<1664x32xf32, #tpu.memory_space<vmem>>, vector<16xf32>,
        %add3A_638 = arith.addf %add3A_622, %get3A_632 : vector<16xf32>
        %add3A_639 = arith.addf %add3A_623, %get3A_637 : vector<16xf32>
        %mul3A_640 = arith.mulf %get3A_632, %get3A_632 : vector<16xf32>
        %add3A_641 = arith.addf %add3A_625, %mul3A_640 : vector<16xf32>
        %mul3A_642 = arith.mulf %get3A_637, %get3A_637 : vector<16xf32>
        %add3A_643 = arith.addf %add3A_627, %mul3A_642 : vector<16xf32>
        %add3A_644 = arith.constant 15 : i32
        %add3A_645 = arith.addi %mul3A_395, %add3A_644 : i32
        %get3A_646 = arith.index_cast %add3A_645 : i32 to index
        %get3A_647 = arith.constant 0 : index
        %get3A_648 = tpu.vector_load %arg8[%get3A_646, %get3A_647] {strides = array<i32>} : memref<1664x32xf32, #tpu.memory_space<vmem>>, vector<16xf32>,
        %add3A_649 = arith.constant 15 : i32
        %add3A_650 = arith.addi %mul3A_395, %add3A_649 : i32
        %get3A_651 = arith.index_cast %add3A_650 : i32 to index
        %get3A_652 = arith.constant 16 : index
        %get3A_653 = tpu.vector_load %arg8[%get3A_651, %get3A_652] {strides = array<i32>} : memref<1664x32xf32, #tpu.memory_space<vmem>>, vector<16xf32>,
        %add3A_654 = arith.addf %add3A_638, %get3A_648 : vector<16xf32>
        %add3A_655 = arith.addf %add3A_639, %get3A_653 : vector<16xf32>
        %mul3A_656 = arith.mulf %get3A_648, %get3A_648 : vector<16xf32>
        %add3A_657 = arith.addf %add3A_641, %mul3A_656 : vector<16xf32>
        %mul3A_658 = arith.mulf %get3A_653, %get3A_653 : vector<16xf32>
        %add3A_659 = arith.addf %add3A_643, %mul3A_658 : vector<16xf32>
        %add3A_660 = arith.constant 16 : i32
        %add3A_661 = arith.addi %mul3A_395, %add3A_660 : i32
        %get3A_662 = arith.index_cast %add3A_661 : i32 to index
        %get3A_663 = arith.constant 0 : index
        %get3A_664 = tpu.vector_load %arg8[%get3A_662, %get3A_663] {strides = array<i32>} : memref<1664x32xf32, #tpu.memory_space<vmem>>, vector<16xf32>,
        %add3A_665 = arith.constant 16 : i32
        %add3A_666 = arith.addi %mul3A_395, %add3A_665 : i32
        %get3A_667 = arith.index_cast %add3A_666 : i32 to index
        %get3A_668 = arith.constant 16 : index
        %get3A_669 = tpu.vector_load %arg8[%get3A_667, %get3A_668] {strides = array<i32>} : memref<1664x32xf32, #tpu.memory_space<vmem>>, vector<16xf32>,
        %add3A_670 = arith.addf %add3A_654, %get3A_664 : vector<16xf32>
        %add3A_671 = arith.addf %add3A_655, %get3A_669 : vector<16xf32>
        %mul3A_672 = arith.mulf %get3A_664, %get3A_664 : vector<16xf32>
        %add3A_673 = arith.addf %add3A_657, %mul3A_672 : vector<16xf32>
        %mul3A_674 = arith.mulf %get3A_669, %get3A_669 : vector<16xf32>
        %add3A_675 = arith.addf %add3A_659, %mul3A_674 : vector<16xf32>
        %add3A_676 = arith.constant 17 : i32
        %add3A_677 = arith.addi %mul3A_395, %add3A_676 : i32
        %get3A_678 = arith.index_cast %add3A_677 : i32 to index
        %get3A_679 = arith.constant 0 : index
        %get3A_680 = tpu.vector_load %arg8[%get3A_678, %get3A_679] {strides = array<i32>} : memref<1664x32xf32, #tpu.memory_space<vmem>>, vector<16xf32>,
        %add3A_681 = arith.constant 17 : i32
        %add3A_682 = arith.addi %mul3A_395, %add3A_681 : i32
        %get3A_683 = arith.index_cast %add3A_682 : i32 to index
        %get3A_684 = arith.constant 16 : index
        %get3A_685 = tpu.vector_load %arg8[%get3A_683, %get3A_684] {strides = array<i32>} : memref<1664x32xf32, #tpu.memory_space<vmem>>, vector<16xf32>,
        %add3A_686 = arith.addf %add3A_670, %get3A_680 : vector<16xf32>
        %add3A_687 = arith.addf %add3A_671, %get3A_685 : vector<16xf32>
        %mul3A_688 = arith.mulf %get3A_680, %get3A_680 : vector<16xf32>
        %add3A_689 = arith.addf %add3A_673, %mul3A_688 : vector<16xf32>
        %mul3A_690 = arith.mulf %get3A_685, %get3A_685 : vector<16xf32>
        %add3A_691 = arith.addf %add3A_675, %mul3A_690 : vector<16xf32>
        %add3A_692 = arith.constant 18 : i32
        %add3A_693 = arith.addi %mul3A_395, %add3A_692 : i32
        %get3A_694 = arith.index_cast %add3A_693 : i32 to index
        %get3A_695 = arith.constant 0 : index
        %get3A_696 = tpu.vector_load %arg8[%get3A_694, %get3A_695] {strides = array<i32>} : memref<1664x32xf32, #tpu.memory_space<vmem>>, vector<16xf32>,
        %add3A_697 = arith.constant 18 : i32
        %add3A_698 = arith.addi %mul3A_395, %add3A_697 : i32
        %get3A_699 = arith.index_cast %add3A_698 : i32 to index
        %get3A_700 = arith.constant 16 : index
        %get3A_701 = tpu.vector_load %arg8[%get3A_699, %get3A_700] {strides = array<i32>} : memref<1664x32xf32, #tpu.memory_space<vmem>>, vector<16xf32>,
        %add3A_702 = arith.addf %add3A_686, %get3A_696 : vector<16xf32>
        %add3A_703 = arith.addf %add3A_687, %get3A_701 : vector<16xf32>
        %mul3A_704 = arith.mulf %get3A_696, %get3A_696 : vector<16xf32>
        %add3A_705 = arith.addf %add3A_689, %mul3A_704 : vector<16xf32>
        %mul3A_706 = arith.mulf %get3A_701, %get3A_701 : vector<16xf32>
        %add3A_707 = arith.addf %add3A_691, %mul3A_706 : vector<16xf32>
        %add3A_708 = arith.constant 19 : i32
        %add3A_709 = arith.addi %mul3A_395, %add3A_708 : i32
        %get3A_710 = arith.index_cast %add3A_709 : i32 to index
        %get3A_711 = arith.constant 0 : index
        %get3A_712 = tpu.vector_load %arg8[%get3A_710, %get3A_711] {strides = array<i32>} : memref<1664x32xf32, #tpu.memory_space<vmem>>, vector<16xf32>,
        %add3A_713 = arith.constant 19 : i32
        %add3A_714 = arith.addi %mul3A_395, %add3A_713 : i32
        %get3A_715 = arith.index_cast %add3A_714 : i32 to index
        %get3A_716 = arith.constant 16 : index
        %get3A_717 = tpu.vector_load %arg8[%get3A_715, %get3A_716] {strides = array<i32>} : memref<1664x32xf32, #tpu.memory_space<vmem>>, vector<16xf32>,
        %add3A_718 = arith.addf %add3A_702, %get3A_712 : vector<16xf32>
        %add3A_719 = arith.addf %add3A_703, %get3A_717 : vector<16xf32>
        %mul3A_720 = arith.mulf %get3A_712, %get3A_712 : vector<16xf32>
        %add3A_721 = arith.addf %add3A_705, %mul3A_720 : vector<16xf32>
        %mul3A_722 = arith.mulf %get3A_717, %get3A_717 : vector<16xf32>
        %add3A_723 = arith.addf %add3A_707, %mul3A_722 : vector<16xf32>
        %add3A_724 = arith.constant 20 : i32
        %add3A_725 = arith.addi %mul3A_395, %add3A_724 : i32
        %get3A_726 = arith.index_cast %add3A_725 : i32 to index
        %get3A_727 = arith.constant 0 : index
        %get3A_728 = tpu.vector_load %arg8[%get3A_726, %get3A_727] {strides = array<i32>} : memref<1664x32xf32, #tpu.memory_space<vmem>>, vector<16xf32>,
        %add3A_729 = arith.constant 20 : i32
        %add3A_730 = arith.addi %mul3A_395, %add3A_729 : i32
        %get3A_731 = arith.index_cast %add3A_730 : i32 to index
        %get3A_732 = arith.constant 16 : index
        %get3A_733 = tpu.vector_load %arg8[%get3A_731, %get3A_732] {strides = array<i32>} : memref<1664x32xf32, #tpu.memory_space<vmem>>, vector<16xf32>,
        %add3A_734 = arith.addf %add3A_718, %get3A_728 : vector<16xf32>
        %add3A_735 = arith.addf %add3A_719, %get3A_733 : vector<16xf32>
        %mul3A_736 = arith.mulf %get3A_728, %get3A_728 : vector<16xf32>
        %add3A_737 = arith.addf %add3A_721, %mul3A_736 : vector<16xf32>
        %mul3A_738 = arith.mulf %get3A_733, %get3A_733 : vector<16xf32>
        %add3A_739 = arith.addf %add3A_723, %mul3A_738 : vector<16xf32>
        %add3A_740 = arith.constant 21 : i32
        %add3A_741 = arith.addi %mul3A_395, %add3A_740 : i32
        %get3A_742 = arith.index_cast %add3A_741 : i32 to index
        %get3A_743 = arith.constant 0 : index
        %get3A_744 = tpu.vector_load %arg8[%get3A_742, %get3A_743] {strides = array<i32>} : memref<1664x32xf32, #tpu.memory_space<vmem>>, vector<16xf32>,
        %add3A_745 = arith.constant 21 : i32
        %add3A_746 = arith.addi %mul3A_395, %add3A_745 : i32
        %get3A_747 = arith.index_cast %add3A_746 : i32 to index
        %get3A_748 = arith.constant 16 : index
        %get3A_749 = tpu.vector_load %arg8[%get3A_747, %get3A_748] {strides = array<i32>} : memref<1664x32xf32, #tpu.memory_space<vmem>>, vector<16xf32>,
        %add3A_750 = arith.addf %add3A_734, %get3A_744 : vector<16xf32>
        %add3A_751 = arith.addf %add3A_735, %get3A_749 : vector<16xf32>
        %mul3A_752 = arith.mulf %get3A_744, %get3A_744 : vector<16xf32>
        %add3A_753 = arith.addf %add3A_737, %mul3A_752 : vector<16xf32>
        %mul3A_754 = arith.mulf %get3A_749, %get3A_749 : vector<16xf32>
        %add3A_755 = arith.addf %add3A_739, %mul3A_754 : vector<16xf32>
        %add3A_756 = arith.constant 22 : i32
        %add3A_757 = arith.addi %mul3A_395, %add3A_756 : i32
        %get3A_758 = arith.index_cast %add3A_757 : i32 to index
        %get3A_759 = arith.constant 0 : index
        %get3A_760 = tpu.vector_load %arg8[%get3A_758, %get3A_759] {strides = array<i32>} : memref<1664x32xf32, #tpu.memory_space<vmem>>, vector<16xf32>,
        %add3A_761 = arith.constant 22 : i32
        %add3A_762 = arith.addi %mul3A_395, %add3A_761 : i32
        %get3A_763 = arith.index_cast %add3A_762 : i32 to index
        %get3A_764 = arith.constant 16 : index
        %get3A_765 = tpu.vector_load %arg8[%get3A_763, %get3A_764] {strides = array<i32>} : memref<1664x32xf32, #tpu.memory_space<vmem>>, vector<16xf32>,
        %add3A_766 = arith.addf %add3A_750, %get3A_760 : vector<16xf32>
        %add3A_767 = arith.addf %add3A_751, %get3A_765 : vector<16xf32>
        %mul3A_768 = arith.mulf %get3A_760, %get3A_760 : vector<16xf32>
        %add3A_769 = arith.addf %add3A_753, %mul3A_768 : vector<16xf32>
        %mul3A_770 = arith.mulf %get3A_765, %get3A_765 : vector<16xf32>
        %add3A_771 = arith.addf %add3A_755, %mul3A_770 : vector<16xf32>
        %add3A_772 = arith.constant 23 : i32
        %add3A_773 = arith.addi %mul3A_395, %add3A_772 : i32
        %get3A_774 = arith.index_cast %add3A_773 : i32 to index
        %get3A_775 = arith.constant 0 : index
        %get3A_776 = tpu.vector_load %arg8[%get3A_774, %get3A_775] {strides = array<i32>} : memref<1664x32xf32, #tpu.memory_space<vmem>>, vector<16xf32>,
        %add3A_777 = arith.constant 23 : i32
        %add3A_778 = arith.addi %mul3A_395, %add3A_777 : i32
        %get3A_779 = arith.index_cast %add3A_778 : i32 to index
        %get3A_780 = arith.constant 16 : index
        %get3A_781 = tpu.vector_load %arg8[%get3A_779, %get3A_780] {strides = array<i32>} : memref<1664x32xf32, #tpu.memory_space<vmem>>, vector<16xf32>,
        %add3A_782 = arith.addf %add3A_766, %get3A_776 : vector<16xf32>
        %add3A_783 = arith.addf %add3A_767, %get3A_781 : vector<16xf32>
        %mul3A_784 = arith.mulf %get3A_776, %get3A_776 : vector<16xf32>
        %add3A_785 = arith.addf %add3A_769, %mul3A_784 : vector<16xf32>
        %mul3A_786 = arith.mulf %get3A_781, %get3A_781 : vector<16xf32>
        %add3A_787 = arith.addf %add3A_771, %mul3A_786 : vector<16xf32>
        %add3A_788 = arith.constant 24 : i32
        %add3A_789 = arith.addi %mul3A_395, %add3A_788 : i32
        %get3A_790 = arith.index_cast %add3A_789 : i32 to index
        %get3A_791 = arith.constant 0 : index
        %get3A_792 = tpu.vector_load %arg8[%get3A_790, %get3A_791] {strides = array<i32>} : memref<1664x32xf32, #tpu.memory_space<vmem>>, vector<16xf32>,
        %add3A_793 = arith.constant 24 : i32
        %add3A_794 = arith.addi %mul3A_395, %add3A_793 : i32
        %get3A_795 = arith.index_cast %add3A_794 : i32 to index
        %get3A_796 = arith.constant 16 : index
        %get3A_797 = tpu.vector_load %arg8[%get3A_795, %get3A_796] {strides = array<i32>} : memref<1664x32xf32, #tpu.memory_space<vmem>>, vector<16xf32>,
        %add3A_798 = arith.addf %add3A_782, %get3A_792 : vector<16xf32>
        %add3A_799 = arith.addf %add3A_783, %get3A_797 : vector<16xf32>
        %mul3A_800 = arith.mulf %get3A_792, %get3A_792 : vector<16xf32>
        %add3A_801 = arith.addf %add3A_785, %mul3A_800 : vector<16xf32>
        %mul3A_802 = arith.mulf %get3A_797, %get3A_797 : vector<16xf32>
        %add3A_803 = arith.addf %add3A_787, %mul3A_802 : vector<16xf32>
        %add3A_804 = arith.constant 25 : i32
        %add3A_805 = arith.addi %mul3A_395, %add3A_804 : i32
        %get3A_806 = arith.index_cast %add3A_805 : i32 to index
        %get3A_807 = arith.constant 0 : index
        %get3A_808 = tpu.vector_load %arg8[%get3A_806, %get3A_807] {strides = array<i32>} : memref<1664x32xf32, #tpu.memory_space<vmem>>, vector<16xf32>,
        %add3A_809 = arith.constant 25 : i32
        %add3A_810 = arith.addi %mul3A_395, %add3A_809 : i32
        %get3A_811 = arith.index_cast %add3A_810 : i32 to index
        %get3A_812 = arith.constant 16 : index
        %get3A_813 = tpu.vector_load %arg8[%get3A_811, %get3A_812] {strides = array<i32>} : memref<1664x32xf32, #tpu.memory_space<vmem>>, vector<16xf32>,
        %add3A_814 = arith.addf %add3A_798, %get3A_808 : vector<16xf32>
        %add3A_815 = arith.addf %add3A_799, %get3A_813 : vector<16xf32>
        %mul3A_816 = arith.mulf %get3A_808, %get3A_808 : vector<16xf32>
        %add3A_817 = arith.addf %add3A_801, %mul3A_816 : vector<16xf32>
        %mul3A_818 = arith.mulf %get3A_813, %get3A_813 : vector<16xf32>
        %add3A_819 = arith.addf %add3A_803, %mul3A_818 : vector<16xf32>
        %add3A_820 = vector.broadcast %mul3A_395 : i32 to vector<16xi32>
        %add3A_821 = arith.addi %add3A_820, %iota3A : vector<16xi32>
        %gather3A = tpu.vector_load_idx %arg9[%add3A_821] : memref<1680xf32, #tpu.memory_space<vmem>>[vector<16xi32>], vector<16xf32>,
        %add3A_822 = arith.constant 16 : i32
        %add3A_823 = arith.addi %mul3A_395, %add3A_822 : i32
        %add3A_824 = vector.broadcast %add3A_823 : i32 to vector<16xi32>
        %add3A_825 = arith.addi %add3A_824, %iota3A : vector<16xi32>
        %gather3A_826 = tpu.vector_load_idx %arg9[%add3A_825] : memref<1680xf32, #tpu.memory_space<vmem>>[vector<16xi32>], vector<16xf32>,
        %mul3A_827 = arith.mulf %gather3A_826, %convert_element_type3A_6 : vector<16xf32>
        %add3A_828 = arith.addf %gather3A, %mul3A_827 : vector<16xf32>
        %reduce_sum3A = arith.constant true
        %reduce_sum3A_829 = vector.broadcast %reduce_sum3A : i1 to vector<16xi1>
        %reduce_sum3A_830 = tpu.scan <sum>, %add3A_828 masked %reduce_sum3A_829 : vector<16xf32>, vector<16xi1> -> vector<16xf32>
        %reduce_sum3A_831 = vector.extract %reduce_sum3A_830[15] : f32 from vector<16xf32>
        %broadcast_in_dim3A_832 = vector.broadcast %reduce_sum3A_831 : f32 to vector<16xf32>
        %add3A_833 = arith.addf %broadcast_in_dim3A_832, %get3A_1 : vector<16xf32>
        %mul3A_834 = arith.mulf %add3A_814, %add3A_814 : vector<16xf32>
        %add3A_835 = arith.addf %mul3A_834, %add3A_817 : vector<16xf32>
        %mul3A_836 = arith.constant 5.000000e-01 : f32
        %mul3A_837 = vector.broadcast %mul3A_836 : f32 to vector<16xf32>
        %mul3A_838 = arith.mulf %mul3A_837, %add3A_835 : vector<16xf32>
        %add3A_839 = arith.addf %add3A_833, %mul3A_838 : vector<16xf32>
        %swap3A_840 = arith.index_cast %scan3A_393 : i32 to index
        %swap3A_841 = arith.constant 0 : index
        %swap3A_842 = tpu.vector_load %arg10[%swap3A_840, %swap3A_841] {strides = array<i32>} : memref<64x32xf32, #tpu.memory_space<vmem>>, vector<16xf32>,
        tpu.vector_store %arg10[%swap3A_840, %swap3A_841], %add3A_839 {strides = array<i32>} : memref<64x32xf32, #tpu.memory_space<vmem>>, vector<16xf32>,
        %mul3A_843 = arith.mulf %add3A_815, %add3A_815 : vector<16xf32>
        %add3A_844 = arith.addf %mul3A_843, %add3A_819 : vector<16xf32>
        %mul3A_845 = arith.constant 5.000000e-01 : f32
        %mul3A_846 = vector.broadcast %mul3A_845 : f32 to vector<16xf32>
        %mul3A_847 = arith.mulf %mul3A_846, %add3A_844 : vector<16xf32>
        %add3A_848 = arith.addf %add3A_833, %mul3A_847 : vector<16xf32>
        %swap3A_849 = arith.index_cast %scan3A_393 : i32 to index
        %swap3A_850 = arith.constant 16 : index
        %swap3A_851 = tpu.vector_load %arg10[%swap3A_849, %swap3A_850] {strides = array<i32>} : memref<64x32xf32, #tpu.memory_space<vmem>>, vector<16xf32>,
        tpu.vector_store %arg10[%swap3A_849, %swap3A_850], %add3A_848 {strides = array<i32>} : memref<64x32xf32, #tpu.memory_space<vmem>>, vector<16xf32>,
      }
      %scan3A_392 = arith.constant 64 : i32
      "tpu.region"() ({
        %run_scoped3A = tpu.sem_alloc : memref<!tpu.dma_semaphore, #tpu.memory_space<semaphore_mem>>
        %dma_start3A_393 = arith.constant 0 : i32
        %dma_start3A_394 = tpu.memref_slice %arg6[%add3A_17, %dma_start3A_393] : memref<16384x32xf32, #tpu.memory_space<hbm>> -> memref<64x32xf32, #tpu.memory_space<hbm>>
        %dma_start3A_395 = arith.constant 0 : i32
        %dma_start3A_396 = tpu.memref_slice %arg6[%add3A_17, %dma_start3A_395] : memref<16384x32xf32, #tpu.memory_space<hbm>> -> memref<64x32xf32, #tpu.memory_space<hbm>>
        tpu.enqueue_dma source(%arg10 : memref<64x32xf32, #tpu.memory_space<vmem>>) target(%dma_start3A_396 : memref<64x32xf32, #tpu.memory_space<hbm>>) target_semaphore(%run_scoped3A : memref<!tpu.dma_semaphore, #tpu.memory_space<semaphore_mem>>)
        %dma_wait3A_397 = arith.constant 0 : i32
        %dma_wait3A_398 = tpu.memref_slice %arg6[%add3A_17, %dma_wait3A_397] : memref<16384x32xf32, #tpu.memory_space<hbm>> -> memref<64x32xf32, #tpu.memory_space<hbm>>
        %dma_wait3A_399 = arith.constant 0 : i32
        %dma_wait3A_400 = tpu.memref_slice %arg6[%add3A_17, %dma_wait3A_399] : memref<16384x32xf32, #tpu.memory_space<hbm>> -> memref<64x32xf32, #tpu.memory_space<hbm>>
        tpu.wait_dma2 semaphore(%run_scoped3A : memref<!tpu.dma_semaphore, #tpu.memory_space<semaphore_mem>>) src(%arg10 : memref<64x32xf32, #tpu.memory_space<vmem>>) dst(%dma_wait3A_400 : memref<64x32xf32, #tpu.memory_space<hbm>>)
        tpu.yield
      }) : () -> ()
    }
    %scan3A_11 = arith.constant 8 : i32
    return
  }
}

</mosaic_0001>

<sc_bundles>
// kernel: _fm.3.cloned.1.call-start
scs
__scs_entry_jumppad:
0x0: {  	(pc) =	sbr.rel $0x88, $3  }
0x1: {  	(tag) =	ssettag $0x0;
	lr =	simm.s32 $0x1  }
0x2: {  	[smem:$0x3F9D] =	sst lr;
	_ =	strace $0xD0000000  }
0x3: {  	_ = 	snop  }
0x4: {  	_ = 	snop  }
0x5: {  	_ = 	snop  }
0x6: {  	_ = 	snop  }
0x7: {  	_ = 	snop  }
__scs_overlays_trampoline_lowered:
0x8: {  	[smem:$0x3FAC] =	sst s0  }
0x9: {  	[smem:$0x3FAD] =	sst s1  }
0xa: {  	[smem:$0x3FAE] =	sst s2  }
0xb: {  	[smem:$0x3FAF] =	sst s3  }
0xc: {  	[smem:$0x3FB0] =	sst s4  }
0xd: {  	[smem:$0x3FB1] =	sst s5  }
0xe: {  	[smem:$0x3FB2] =	sst s6  }
0xf: {  	[smem:$0x3FB3] =	sst s7  }
0x10: {  	[smem:$0x3FB4] =	sst s8  }
0x11: {  	[smem:$0x3FB5] =	sst s9;
	s0 =	simm.s32 @!p0 $0x0  }
0x12: {  	s1 =	sld [smem:$0x3F9B];
	s0 =	simm.s32 @p0 $0x1  }
0x13: {  	[smem:$0x3FB6] =	sst s0;
	s0 =	simm.s32 @!p1 $0x0  }
0x14: {  	s2 =	sld [smem:$0x3F9A];
	s0 =	simm.s32 @p1 $0x1  }
0x15: {  	[smem:$0x3FB7] =	sst s0;
	s0 =	simm.s32 @!p2 $0x0  }
0x16: {  	s3 =	sld [smem:$0x3FDB];
	s0 =	simm.s32 @p2 $0x1  }
0x17: {  	s4 =	simm.s32 $0x1BF5;
	[smem:$0x3FB9] =	sst s0  }
0x18: {  	s0 =	sld [smem:$0x3F9C];
	_ =	swait.ge [sflag:s4], $0x0  }
0x19: {  	s7 =	sld [smem:$0x3F9D]  }
0x1a: {  	s8 =	sadd.s32 $0xFFFFE003, lr  }
0x1b: {  	s9 =	sadd.s32 $0xFFFFFEF7, lr;
	s5 =	simm.s32 $0xFFFFFFFF;
	p2 =	slt.u32 s8, $0xFFFFF086  }
0x1c: {  	p1 =	slt.u32 s9, $0xF7A;
	s5 =	simm.s32 @!p2 $0x0  }
0x1d: {  	s5 =	simm.s32 @p1 $0x1;
	p0 =	seq.s32 s7, s2  }
0x1e: {  	s7 =	smul.u32 @!p0 $0xF7A, s2;
	p2 =	seq.s32 @!p0 s5, $0x0  }
0x1f: {  	s9 =	smul.u32 $0xF7A, s1;
	s8 =	simm.s32 @!p0 $0x1BF5;
	p2 =	por !p2, p0  }
0x20: {  	[sflag:s8] =	ssyncset.s32 @!p0 $0xFFFFF086;
	s6 =	sadd.s32 @!p0 s3, s7;
	s7 =	simm.s32 @!p0 $0x108  }
0x21: {  	s3 =	sadd.s32 s3, s9;
	s6 =	sadd.s32 @!p0 $0x88, s6;
	s7 =	simm.s32 @p2 $0x1082  }
0x22: {  	[simem:s7], [sflag:s8] =	dma.local @!p0 [hbm:s6], $0xF7A  }
0x23: {  	s9 =	sor.u32 $0xD0000000, s2;
	s6 =	simm.s32 $0x108;
	_ =	swait.ge @!p0 [sflag:s8], $0x0  }
0x24: {  	s3 =	sadd.s32 $0x88, s3;
	s6 =	simm.s32 @!p1 $0x1082;
	[sflag:s4] =	ssyncset.s32 $0xFFFFF086  }
0x25: {  	[simem:s6], [sflag:s4] =	dma.local [hbm:s3], $0xF7A  }
0x26: {  	[smem:$0x3F9D] =	sst s1;
	(tag) =	ssettag s2;
	_ =	strace s9  }
0x27: {  	s1 =	sld [smem:$0x3FAD]  }
0x28: {  	s2 =	sld [smem:$0x3FAE]  }
0x29: {  	s4 =	sld [smem:$0x3FB0]  }
0x2a: {  	p0 =	seq.s32 s5, $0x0;
	s5 =	sld [smem:$0x3FB1]  }
0x2b: {  	s6 =	sld [smem:$0x3FB2]  }
0x2c: {  	s7 =	sld [smem:$0x3FB3]  }
0x2d: {  	s3 =	simm.s32 $0x108;
	s8 =	sld [smem:$0x3FB4]  }
0x2e: {  	s3 =	simm.s32 @!p0 $0x1082;
	s9 =	sld [smem:$0x3FB5]  }
0x2f: {  	lr =	sadd.s32 s0, s3;
	s0 =	sld [smem:$0x3FAC]  }
0x30: {  	s3 =	sld [smem:$0x3FAF]  }
0x31: {  	[smem:$0x3FB8] =	sst s10  }
0x32: {  	s10 =	sld [smem:$0x3FB6];
	_ =	sdelay $0x3  }
0x33: {  	p0 =	seq.s32 s10, $0x1;
	s10 =	sld [smem:$0x3FB8];
	_ =	sdelay $0x3  }
0x34: {  	[smem:$0x3FB8] =	sst s10  }
0x35: {  	s10 =	sld [smem:$0x3FB7];
	_ =	sdelay $0x3  }
0x36: {  	p1 =	seq.s32 s10, $0x1;
	s10 =	sld [smem:$0x3FB8];
	_ =	sdelay $0x3  }
0x37: {  	[smem:$0x3FB8] =	sst s10  }
0x38: {  	s10 =	sld [smem:$0x3FB9]  }
0x39: {  	_ = 	snop;
	(pc) =	sbr.ind lr, $3  }
0x3a: {  	_ = 	snop  }
0x3b: {  	_ = 	snop  }
0x3c: {  	p2 =	seq.s32 s10, $0x1;
	s10 =	sld [smem:$0x3FB8]  }
0x3d: {  	_ =	shalt  }
0x3e: {  	_ =	shalt  }
0x3f: {  	_ =	shalt  }
0x40: {  	_ =	shalt  }
0x41: {  	_ =	shalt  }
0x42: {  	_ =	shalt  }
0x43: {  	_ =	shalt  }
0x44: {  	_ =	shalt  }
0x45: {  	_ =	shalt  }
0x46: {  	_ =	shalt  }
0x47: {  	_ =	shalt  }
0x48: {  	_ =	shalt  }
0x49: {  	_ =	shalt  }
0x4a: {  	_ =	shalt  }
0x4b: {  	_ =	shalt  }
0x4c: {  	_ =	shalt  }
0x4d: {  	_ =	shalt  }
0x4e: {  	_ =	shalt  }
0x4f: {  	_ =	shalt  }
0x50: {  	_ =	shalt  }
0x51: {  	_ =	shalt  }
0x52: {  	_ =	shalt  }
0x53: {  	_ =	shalt  }
0x54: {  	_ =	shalt  }
0x55: {  	_ =	shalt  }
0x56: {  	_ =	shalt  }
0x57: {  	_ =	shalt  }
0x58: {  	_ =	shalt  }
0x59: {  	_ =	shalt  }
0x5a: {  	_ =	shalt  }
0x5b: {  	_ =	shalt  }
0x5c: {  	_ =	shalt  }
0x5d: {  	_ =	shalt  }
0x5e: {  	_ =	shalt  }
0x5f: {  	_ =	shalt  }
0x60: {  	_ =	shalt  }
0x61: {  	_ =	shalt  }
0x62: {  	_ =	shalt  }
0x63: {  	_ =	shalt  }
0x64: {  	_ =	shalt  }
0x65: {  	_ =	shalt  }
0x66: {  	_ =	shalt  }
0x67: {  	_ =	shalt  }
0x68: {  	_ =	shalt  }
0x69: {  	_ =	shalt  }
0x6a: {  	_ =	shalt  }
0x6b: {  	_ =	shalt  }
0x6c: {  	_ =	shalt  }
0x6d: {  	_ =	shalt  }
0x6e: {  	_ =	shalt  }
0x6f: {  	_ =	shalt  }
0x70: {  	_ =	shalt  }
0x71: {  	_ =	shalt  }
0x72: {  	_ =	shalt  }
0x73: {  	_ =	shalt  }
0x74: {  	_ =	shalt  }
0x75: {  	_ =	shalt  }
0x76: {  	_ =	shalt  }
0x77: {  	_ =	shalt  }
0x78: {  	_ =	shalt  }
0x79: {  	_ =	shalt  }
0x7a: {  	_ =	shalt  }
0x7b: {  	_ =	shalt  }
0x7c: {  	_ =	shalt  }
0x7d: {  	_ =	shalt  }
0x7e: {  	_ =	shalt  }
0x7f: {  	_ =	shalt  }
0x80: {  	_ =	shalt  }
0x81: {  	_ =	shalt  }
0x82: {  	_ =	shalt  }
0x83: {  	_ =	shalt  }
0x84: {  	_ =	shalt  }
0x85: {  	_ =	shalt  }
0x86: {  	_ =	shalt  }
0x87: {  	_ =	shalt  }
.Lfunc_end0:
.L_simem_size_0:
called_computation_lowered:
.L_overlay_start_0:
0x88: {  	s2 =	sld [smem:$0x3FD9]  }
0x89: {  	s3 =	sld [smem:$0x3FFE];
	_ =	sdelay $0x1  }
0x8a: {  	s1 =	srdreg.scid  }
0x8b: {  	s0 =	sand.u32 $0x1, s1  }
0x8c: {  	s17 =	sshll.u32 s0, $0xA;
	s2 =	sadd.s32 s3, s2  }
0x8d: {  	s2 =	sadd.s32 s2, s17  }
0x8e: {  	[smem:$0x3FC4] =	sst s2  }
0x8f: {  	_ = 	snop  }
0x90: {  	s2 =	sld [smem:$0x3FC9]  }
0x91: {  	s18 =	sld [smem:$0x3FC8]  }
0x92: {  	s4 =	sld [smem:$0x3FC7]  }
0x93: {  	s5 =	sld [smem:$0x3FD0];
	(tm) =	ssettm $0x1  }
0x94: {  	s6 =	sld [smem:$0x3FFB];
	_ =	sdelay $0x3  }
0x95: {  	_ =	strace s6  }
0x96: {  	s6 =	sld [smem:$0x3FFC];
	_ =	sdelay $0x3  }
0x97: {  	_ =	strace s6  }
0x98: {  	s6 =	sld [smem:$0x3FFD];
	_ =	sdelay $0x3  }
0x99: {  	_ =	strace s6  }
0x9a: {  	_ =	strace $0x8FFFFFFF  }
0x9b: {  	s19 =	sld [smem:$0x3FDB];
	_ =	sdelay $0x1  }
0x9c: {  	s7 =	simm.s32 $_scs_section_size  }
0x9d: {  	s8 =	simm.s32 $_size__tile_overlayer_lowered;
	s9 =	simm.s32 $_tile_overlayer_lowered  }
0x9e: {  	s22 =	simm.s32 $0x1BFF;
	s21 =	sshll.u32 s9, $0x1;
	s6 =	sadd.s32 s7, s19  }
0x9f: {  	s10 =	simm.s32 $0x0;
	s20 =	sshll.u32 s8, $0x1;
	s8 =	sadd.s32 s21, s6  }
0xa0: {  	[timem:s10], [sflag:s22] =	dma.local [hbm:s8], s20  }
0xa1: {  	_ =	swait.ge [sflag:s22], s20  }
0xa2: {  	s7 =	ssub.s32 $0x0, s20;
	[sflag:s22] =	ssyncset.done $0x0  }
0xa3: {  	[sflag:s22] =	ssyncadd.s32 s7;
	_ =	sdelay $0x1  }
0xa4: {  	s23 =	simm.s32 $0x1B8B  }
0xa5: {  	_ =	swait.ge [sflag:s23], $0x1  }
0xa6: {  	[sflag:s23] =	ssyncset.done $0x0  }
0xa7: {  	s25 =	simm.s32 $0x1B8E;
	s24 =	sld [smem:$0x3FFE];
	[sflag:s23] =	ssyncadd.s32 $0xFFFFFFFF  }
0xa8: {  	s26 =	simm.s32 $execute0_lowered;
	[smem:$0x3FD2] =	sst s25  }
0xa9: {  	s8 =	sshll.u32 s26, $0x1;
	_ =	strace $0x80000046;
	[dreg:$0x1] =	wrdreg $0xFFFFFFFF  }
0xaa: {  	s28 =	simm.s32 $_size_execute0_lowered;
	s6 =	sadd.s32 s6, s8;
	[dreg:$0x0] =	wrdreg $0x0  }
0xab: {  	s8 =	sshll.u32 s28, $0x1;
	[dreg:$0x2] =	wrdreg s6  }
0xac: {  	[dreg:$0x3] =	wrdreg s8  }
0xad: {  	[dreg:$0x4] =	wrdreg $0xC0  }
0xae: {  	_ =	task [dreg:s10], $0x5FFFF  }
0xaf: {  	[dreg:$0x1] =	wrdreg $0xFFFFFFFF  }
0xb0: {  	[dreg:$0x0] =	wrdreg $0x60  }
0xb1: {  	[dreg:$0x2] =	wrdreg s2  }
0xb2: {  	[dreg:$0x3] =	wrdreg s18  }
0xb3: {  	[dreg:$0x4] =	wrdreg s4  }
0xb4: {  	[dreg:$0x5] =	wrdreg s24  }
0xb5: {  	[dreg:$0x6] =	wrdreg s5  }
0xb6: {  	[dreg:$0x7] =	wrdreg $0x9  }
0xb7: {  	_ =	task.clear_ibuf [dreg:s10], $0x8FFFF;
	_ =	strace $0x90000046  }
0xb8: {  	s29 =	simm.s32 $0x9;
	_ =	strace $0x80000048  }
0xb9: {  	_ =	swait.ge [sflag:s29], $0x1  }
0xba: {  	[sflag:s29] =	ssyncadd.s32 $0xFFFFFFFF  }
0xbb: {  	_ =	strace $0x90000048  }
0xbc: {  	_ =	sfence  }
0xbd: {  	s30 =	sld [smem:$0x0];
	_ =	sdelay $0x2  }
0xbe: {  	s31 =	sshll.u32 s1, $0xD;
	s1 =	sshrl.u32 s1, $0x2  }
0xbf: {  	s3 =	sand.u32 $0x4000, s31;
	s1 =	sadd.s32 s1, s30  }
0xc0: {  	s0 =	sor.u32 s3, s0;
	s1 =	sshll.u32 s1, $0x11  }
0xc1: {  	s0 =	sor.u32 s1, s0  }
0xc2: {  	s0 =	sadd.s32 $0x8F2B, s0  }
0xc3: {  	[sflag:s0] =	ssyncadd.remote.s32 $0x1  }
0xc4: {  	_ =	sfence.sel $0xFFFF  }
0xc5: {  	[dreg:$0x0] =	wrdreg $0xFFFFFFFF;
	(pc) =	sbr.abs _section_cstart, $3  }
0xc6: {  	[dreg:$0x1] =	wrdreg $0xFFFFFFFF  }
0xc7: {  	_ =	task.clear_ibuf [dreg:s10], $0x2FFFF;
	_ =	strace $0x9FFFFFFF  }
0xc8: {  	(tm) =	ssettm $0x7FFFFFFF  }
0xc9: {  	_ =	shalt  }
tec
execute0_lowered:
.L_overlay_start_1:
0x0: {  	(tag) =	ssettag $0x1  }
0x1: {  	s3 =	rddreg [dreg:$0x2]  }
0x2: {  	s0 =	rddreg [dreg:$0x3]  }
0x3: {  	s5 =	simm.s32 $0x0;
	s1 =	srdreg.scid;
	s6 =	stileid.u32  }
0x4: {  	s11 =	simm.s32 $0x3;
	s12 =	simm.s32 $0x80;
	s14 =	simm.s32 $0xD680  }
0x5: {  	s17 =	simm.s32 $0x100;
	s20 =	simm.s32 $0x180;
	s23 =	simm.s32 $0x200  }
0x6: {  	s30 =	simm.s32 $0x300;
	s9 =	simm.s32 $0x400;
	s13 =	simm.s32 $0x480  }
0x7: {  	s18 =	simm.s32 $0x500;
	s22 =	simm.s32 $0x580;
	s25 =	simm.s32 $0xDC00  }
0x8: {  	s28 =	simm.s32 $0x600;
	s29 =	simm.s32 $0xC680;
	s31 =	simm.s32 $0xDC80  }
0x9: {  	s10 =	simm.s32 $0xDD10;
	[smem:$0x7FF] =	sst s5;
	s1 =	sand.u32 $0x1, s1  }
0xa: {  	s6 =	sshll.u32 s6, $0xA;
	s7 =	sadd.s32 $0xF42800, s0;
	s2 =	ssub.s32 $0x2, s1  }
0xb: {  	_ =	strace $0x80000047;
	s1 =	sshll.u32 s1, $0x9;
	s4 =	sshrl.u32 s2, $0x1  }
0xc: {  	s8 =	sor.u32 s1, s6;
	s6 =	simm.s32 $0x380;
	s26 =	ssub.s32 s2, s4  }
0xd: {  	v0 =	vimm.f32 $0.0e+00;
	vm0 =	vcmask $0x2700;
	s2 =	simm.s32 $0x2;
	s4 =	simm.s32 $0x0;
	s0 =	smax.u32 s26, $0x1  }
0xe: {  	v1 =	vlaneseq.u32;
	v2 =	vsel vm0, $0x3F800000, v0;
	s26 =	simm.s32 $0x280;
	[dreg:$0x6] =	wrdreg s0;
	s0 =	simm.s32 $0x1  }
.LBB2_1:
0xf: {  	[dreg:$0x7] =	wrdreg s4  }
0x10: {  	s1 =	rddreg [dreg:$0x1];
	s24 =	simm.s32 $0xE510  }
0x11: {  	[tilespmem:s24], [sflag:$0x3] =	stream.linear.gather [hbm4b:s1+s5], $0x10, $0x38;
	[tilespmem:$0xE520] =	vst v63  }
0x12: {  	_ =	swait.ge [sflag:s11], $0x10  }
0x13: {  	[sflag:s11] =	ssyncset.done $0x0  }
0x14: {  	[sflag:s11] =	ssyncadd.s32 $0xFFFFFFF0  }
0x15: {  	s1 =	simm.s32 $0x0;
	v3 =	vld [tilespmem:$0xE510];
	[tilespmem:$0xDD00] =	vst v0  }
.LBB2_2:
0x16: {  	s4 =	sshll.u32 s1, $0x6  }
0x17: {  	s4 =	sadd.s32 s8, s4  }
0x18: {  	s15 =	smul.u32 $0x1A, s4;
	_ =	sdelay $0x1  }
0x19: {  	s16 =	rddreg [dreg:$0x0];
	s15 =	sshrl.u32 s15, $0x3  }
0x1a: {  	s15 =	sadd.s32 s16, s15  }
0x1b: {  	[tilespmem:s5], [sflag:$0x3] =	stream.linear.gather [hbm4b:s15+s5], $0x680, $0x38;
	[tilespmem:$0xE520] =	vst v63  }
0x1c: {  	_ =	swait.ge [sflag:s11], $0x680  }
0x1d: {  	[sflag:s11] =	ssyncset.done $0x0  }
0x1e: {  	s16 =	simm.s32 $0x680;
	[sflag:s11] =	ssyncadd.s32 $0xFFFFF980  }
0x1f: {  	[tilespmem:s16], [sflag:$0x1] =	stream.indirect.gather [hbm4b:s7+s12], $0x20, s5, s12, $0xb8;
	[tilespmem:$0xE520] =	vst v63  }
0x20: {  	_ = 	snop  }
0x21: {  	[tilespmem:s14], [sflag:$0x2] =	stream.indirect.gather [hbm4b:s3+s12], $0x1, s5, s12, $0xb8;
	[tilespmem:$0xE520] =	vst v63  }
0x22: {  	s19 =	simm.s32 $0x1680  }
0x23: {  	[tilespmem:s19], [sflag:$0x1] =	stream.indirect.gather [hbm4b:s7+s12], $0x20, s12, s12, $0xb8;
	[tilespmem:$0xE520] =	vst v63  }
0x24: {  	s21 =	simm.s32 $0xD700  }
0x25: {  	[tilespmem:s21], [sflag:$0x2] =	stream.indirect.gather [hbm4b:s3+s12], $0x1, s12, s12, $0xb8;
	[tilespmem:$0xE520] =	vst v63  }
0x26: {  	s24 =	simm.s32 $0x2680  }
0x27: {  	[tilespmem:s24], [sflag:$0x1] =	stream.indirect.gather [hbm4b:s7+s12], $0x20, s17, s12, $0xb8;
	[tilespmem:$0xE520] =	vst v63  }
0x28: {  	s16 =	simm.s32 $0xD780  }
0x29: {  	[tilespmem:s16], [sflag:$0x2] =	stream.indirect.gather [hbm4b:s3+s12], $0x1, s17, s12, $0xb8;
	[tilespmem:$0xE520] =	vst v63  }
0x2a: {  	s19 =	simm.s32 $0x3680  }
0x2b: {  	[tilespmem:s19], [sflag:$0x1] =	stream.indirect.gather [hbm4b:s7+s12], $0x20, s20, s12, $0xb8;
	[tilespmem:$0xE520] =	vst v63  }
0x2c: {  	s21 =	simm.s32 $0xD800  }
0x2d: {  	[tilespmem:s21], [sflag:$0x2] =	stream.indirect.gather [hbm4b:s3+s12], $0x1, s20, s12, $0xb8;
	[tilespmem:$0xE520] =	vst v63  }
0x2e: {  	s24 =	simm.s32 $0x4680  }
0x2f: {  	[tilespmem:s24], [sflag:$0x1] =	stream.indirect.gather [hbm4b:s7+s12], $0x20, s23, s12, $0xb8;
	[tilespmem:$0xE520] =	vst v63  }
0x30: {  	s16 =	simm.s32 $0xD880  }
0x31: {  	[tilespmem:s16], [sflag:$0x2] =	stream.indirect.gather [hbm4b:s3+s12], $0x1, s23, s12, $0xb8;
	[tilespmem:$0xE520] =	vst v63  }
0x32: {  	s19 =	simm.s32 $0x5680  }
0x33: {  	[tilespmem:s19], [sflag:$0x1] =	stream.indirect.gather [hbm4b:s7+s12], $0x20, s26, s12, $0xb8;
	[tilespmem:$0xE520] =	vst v63  }
0x34: {  	s21 =	simm.s32 $0xD900  }
0x35: {  	[tilespmem:s21], [sflag:$0x2] =	stream.indirect.gather [hbm4b:s3+s12], $0x1, s26, s12, $0xb8;
	[tilespmem:$0xE520] =	vst v63  }
0x36: {  	s24 =	simm.s32 $0x6680  }
0x37: {  	[tilespmem:s24], [sflag:$0x1] =	stream.indirect.gather [hbm4b:s7+s12], $0x20, s30, s12, $0xb8;
	[tilespmem:$0xE520] =	vst v63  }
0x38: {  	s16 =	simm.s32 $0xD980  }
0x39: {  	[tilespmem:s16], [sflag:$0x2] =	stream.indirect.gather [hbm4b:s3+s12], $0x1, s30, s12, $0xb8;
	[tilespmem:$0xE520] =	vst v63  }
0x3a: {  	s19 =	simm.s32 $0x7680  }
0x3b: {  	[tilespmem:s19], [sflag:$0x1] =	stream.indirect.gather [hbm4b:s7+s12], $0x20, s6, s12, $0xb8;
	[tilespmem:$0xE520] =	vst v63  }
0x3c: {  	s21 =	simm.s32 $0xDA00  }
0x3d: {  	[tilespmem:s21], [sflag:$0x2] =	stream.indirect.gather [hbm4b:s3+s12], $0x1, s6, s12, $0xb8;
	[tilespmem:$0xE520] =	vst v63  }
0x3e: {  	s24 =	simm.s32 $0x8680  }
0x3f: {  	[tilespmem:s24], [sflag:$0x1] =	stream.indirect.gather [hbm4b:s7+s12], $0x20, s9, s12, $0xb8;
	[tilespmem:$0xE520] =	vst v63  }
0x40: {  	s16 =	simm.s32 $0xDA80  }
0x41: {  	[tilespmem:s16], [sflag:$0x2] =	stream.indirect.gather [hbm4b:s3+s12], $0x1, s9, s12, $0xb8;
	[tilespmem:$0xE520] =	vst v63  }
0x42: {  	s19 =	simm.s32 $0x9680  }
0x43: {  	[tilespmem:s19], [sflag:$0x1] =	stream.indirect.gather [hbm4b:s7+s12], $0x20, s13, s12, $0xb8;
	[tilespmem:$0xE520] =	vst v63  }
0x44: {  	s21 =	simm.s32 $0xDB00  }
0x45: {  	[tilespmem:s21], [sflag:$0x2] =	stream.indirect.gather [hbm4b:s3+s12], $0x1, s13, s12, $0xb8;
	[tilespmem:$0xE520] =	vst v63  }
0x46: {  	s24 =	simm.s32 $0xA680  }
0x47: {  	[tilespmem:s24], [sflag:$0x1] =	stream.indirect.gather [hbm4b:s7+s12], $0x20, s18, s12, $0xb8;
	[tilespmem:$0xE520] =	vst v63  }
0x48: {  	s16 =	simm.s32 $0xDB80  }
0x49: {  	[tilespmem:s16], [sflag:$0x2] =	stream.indirect.gather [hbm4b:s3+s12], $0x1, s18, s12, $0xb8;
	[tilespmem:$0xE520] =	vst v63  }
0x4a: {  	s19 =	simm.s32 $0xB680  }
0x4b: {  	[tilespmem:s19], [sflag:$0x1] =	stream.indirect.gather [hbm4b:s7+s12], $0x20, s22, s12, $0xb8;
	[tilespmem:$0xE520] =	vst v63  }
0x4c: {  	_ = 	snop  }
0x4d: {  	[tilespmem:s25], [sflag:$0x2] =	stream.indirect.gather [hbm4b:s3+s12], $0x1, s22, s12, $0xb8;
	[tilespmem:$0xE520] =	vst v63  }
0x4e: {  	_ = 	snop  }
0x4f: {  	[tilespmem:s29], [sflag:$0x1] =	stream.indirect.gather [hbm4b:s7+s12], $0x20, s28, s12, $0xb8;
	[tilespmem:$0xE520] =	vst v63  }
0x50: {  	_ = 	snop  }
0x51: {  	[tilespmem:s31], [sflag:$0x2] =	stream.indirect.gather [hbm4b:s3+s12], $0x1, s28, s12, $0xb8;
	[tilespmem:$0xE520] =	vst v63  }
0x52: {  	_ =	swait.ge [sflag:s0], $0x1000  }
0x53: {  	[sflag:s0] =	ssyncset.done $0x0  }
0x54: {  	[sflag:s0] =	ssyncadd.s32 $0xFFFFF000  }
0x55: {  	_ =	swait.ge [sflag:s2], $0x80  }
0x56: {  	[sflag:s2] =	ssyncset.done $0x0  }
0x57: {  	[sflag:s2] =	ssyncadd.s32 $0xFFFFFF80  }
0x58: {  	_ =	swait.ge [sflag:s0], $0x1000  }
0x59: {  	[sflag:s0] =	ssyncset.done $0x0  }
0x5a: {  	[sflag:s0] =	ssyncadd.s32 $0xFFFFF000  }
0x5b: {  	_ =	swait.ge [sflag:s2], $0x80  }
0x5c: {  	[sflag:s2] =	ssyncset.done $0x0  }
0x5d: {  	[sflag:s2] =	ssyncadd.s32 $0xFFFFFF80  }
0x5e: {  	_ =	swait.ge [sflag:s0], $0x1000  }
0x5f: {  	[sflag:s0] =	ssyncset.done $0x0  }
0x60: {  	[sflag:s0] =	ssyncadd.s32 $0xFFFFF000  }
0x61: {  	_ =	swait.ge [sflag:s2], $0x80  }
0x62: {  	[sflag:s2] =	ssyncset.done $0x0  }
0x63: {  	[sflag:s2] =	ssyncadd.s32 $0xFFFFFF80  }
0x64: {  	_ =	swait.ge [sflag:s0], $0x1000  }
0x65: {  	[sflag:s0] =	ssyncset.done $0x0  }
0x66: {  	[sflag:s0] =	ssyncadd.s32 $0xFFFFF000  }
0x67: {  	_ =	swait.ge [sflag:s2], $0x80  }
0x68: {  	[sflag:s2] =	ssyncset.done $0x0  }
0x69: {  	[sflag:s2] =	ssyncadd.s32 $0xFFFFFF80  }
0x6a: {  	_ =	swait.ge [sflag:s0], $0x1000  }
0x6b: {  	[sflag:s0] =	ssyncset.done $0x0  }
0x6c: {  	[sflag:s0] =	ssyncadd.s32 $0xFFFFF000  }
0x6d: {  	_ =	swait.ge [sflag:s2], $0x80  }
0x6e: {  	[sflag:s2] =	ssyncset.done $0x0  }
0x6f: {  	[sflag:s2] =	ssyncadd.s32 $0xFFFFFF80  }
0x70: {  	_ =	swait.ge [sflag:s0], $0x1000  }
0x71: {  	[sflag:s0] =	ssyncset.done $0x0  }
0x72: {  	[sflag:s0] =	ssyncadd.s32 $0xFFFFF000  }
0x73: {  	_ =	swait.ge [sflag:s2], $0x80  }
0x74: {  	[sflag:s2] =	ssyncset.done $0x0  }
0x75: {  	[sflag:s2] =	ssyncadd.s32 $0xFFFFFF80  }
0x76: {  	_ =	swait.ge [sflag:s0], $0x1000  }
0x77: {  	[sflag:s0] =	ssyncset.done $0x0  }
0x78: {  	[sflag:s0] =	ssyncadd.s32 $0xFFFFF000  }
0x79: {  	_ =	swait.ge [sflag:s2], $0x80  }
0x7a: {  	[sflag:s2] =	ssyncset.done $0x0  }
0x7b: {  	[sflag:s2] =	ssyncadd.s32 $0xFFFFFF80  }
0x7c: {  	_ =	swait.ge [sflag:s0], $0x1000  }
0x7d: {  	[sflag:s0] =	ssyncset.done $0x0  }
0x7e: {  	[sflag:s0] =	ssyncadd.s32 $0xFFFFF000  }
0x7f: {  	_ =	swait.ge [sflag:s2], $0x80  }
0x80: {  	[sflag:s2] =	ssyncset.done $0x0  }
0x81: {  	[sflag:s2] =	ssyncadd.s32 $0xFFFFFF80  }
0x82: {  	_ =	swait.ge [sflag:s0], $0x1000  }
0x83: {  	[sflag:s0] =	ssyncset.done $0x0  }
0x84: {  	[sflag:s0] =	ssyncadd.s32 $0xFFFFF000  }
0x85: {  	_ =	swait.ge [sflag:s2], $0x80  }
0x86: {  	[sflag:s2] =	ssyncset.done $0x0  }
0x87: {  	[sflag:s2] =	ssyncadd.s32 $0xFFFFFF80  }
0x88: {  	_ =	swait.ge [sflag:s0], $0x1000  }
0x89: {  	[sflag:s0] =	ssyncset.done $0x0  }
0x8a: {  	[sflag:s0] =	ssyncadd.s32 $0xFFFFF000  }
0x8b: {  	_ =	swait.ge [sflag:s2], $0x80  }
0x8c: {  	[sflag:s2] =	ssyncset.done $0x0  }
0x8d: {  	[sflag:s2] =	ssyncadd.s32 $0xFFFFFF80  }
0x8e: {  	_ =	swait.ge [sflag:s0], $0x1000  }
0x8f: {  	[sflag:s0] =	ssyncset.done $0x0  }
0x90: {  	[sflag:s0] =	ssyncadd.s32 $0xFFFFF000  }
0x91: {  	_ =	swait.ge [sflag:s2], $0x80  }
0x92: {  	[sflag:s2] =	ssyncset.done $0x0  }
0x93: {  	[sflag:s2] =	ssyncadd.s32 $0xFFFFFF80  }
0x94: {  	_ =	swait.ge [sflag:s0], $0x1000  }
0x95: {  	[sflag:s0] =	ssyncset.done $0x0  }
0x96: {  	[sflag:s0] =	ssyncadd.s32 $0xFFFFF000  }
0x97: {  	_ =	swait.ge [sflag:s2], $0x80  }
0x98: {  	[sflag:s2] =	ssyncset.done $0x0  }
0x99: {  	[sflag:s2] =	ssyncadd.s32 $0xFFFFFF80  }
0x9a: {  	_ =	swait.ge [sflag:s0], $0x1000  }
0x9b: {  	[sflag:s0] =	ssyncset.done $0x0  }
0x9c: {  	[sflag:s0] =	ssyncadd.s32 $0xFFFFF000  }
0x9d: {  	_ =	swait.ge [sflag:s2], $0x80  }
0x9e: {  	[sflag:s2] =	ssyncset.done $0x0  }
0x9f: {  	s15 =	simm.s32 $0x820;
	[sflag:s2] =	ssyncadd.s32 $0xFFFFFF80  }
0xa0: {  	v5 =	vld [tilespmem:s15+$0xFFFFFE70]  }
0xa1: {  	v6 =	vld [tilespmem:s15+$0xFFFFFE90]  }
0xa2: {  	v7 =	vld [tilespmem:s15+$0xFFFFFE60]  }
0xa3: {  	v8 =	vld [tilespmem:s15+$0xFFFFFEB0]  }
0xa4: {  	v10 =	vld [tilespmem:s15+$0xFFFFFE80]  }
0xa5: {  	v11 =	vld [tilespmem:s15+$0xFFFFFED0]  }
0xa6: {  	s21 =	simm.s32 $0x10;
	v21 =	vld [tilespmem:s15+$0xFFFFFEA0];
	v9 =	vadd.f32 $0.0e+00, v5  }
0xa7: {  	v14 =	vadd.s32 s21, v1;
	v13 =	vld [tilespmem:s15+$0xFFFFFEF0]  }
0xa8: {  	v15 =	vld [tilespmem:s15+$0xFFFFFEC0];
	v5 =	vmul.f32 v5, v5;
	v12 =	vmul.f32 v6, v6;
	v6 =	vadd.f32 v6, v9  }
0xa9: {  	v16 =	vld [tilespmem:s15+$0xFFFFFF10];
	v22 =	vadd.f32 $0.0e+00, v7;
	v7 =	vmul.f32 v7, v7;
	v17 =	vmul.f32 v10, v10  }
0xaa: {  	v24 =	vld [tilespmem:s15+$0xFFFFFEE0];
	v5 =	vadd.f32 v12, v5;
	v6 =	vadd.f32 v8, v6;
	v8 =	vmul.f32 v8, v8  }
0xab: {  	v25 =	vld [tilespmem:s15+$0xFFFFFF30];
	v26 =	vmul.f32 v21, v21;
	v10 =	vadd.f32 v10, v22;
	v7 =	vadd.f32 v17, v7  }
0xac: {  	v28 =	vld [tilespmem:s15+$0xFFFFFF00];
	v23 =	vmul.f32 v11, v11;
	v27 =	vmul.f32 v13, v13;
	v5 =	vadd.f32 v8, v5  }
0xad: {  	v29 =	vld [tilespmem:s15+$0xFFFFFF50];
	v30 =	vmul.f32 v15, v15;
	v9 =	vadd.f32 v21, v10;
	v7 =	vadd.f32 v26, v7  }
0xae: {  	v32 =	vld [tilespmem:s15+$0xFFFFFF20];
	v31 =	vmul.f32 v16, v16;
	v6 =	vadd.f32 v11, v6;
	v5 =	vadd.f32 v23, v5  }
0xaf: {  	v33 =	vld [tilespmem:s15+$0xFFFFFF70];
	v34 =	vmul.f32 v24, v24;
	v9 =	vadd.f32 v15, v9;
	v7 =	vadd.f32 v30, v7  }
0xb0: {  	v36 =	vld [tilespmem:s15+$0xFFFFFF40];
	v35 =	vmul.f32 v25, v25;
	v6 =	vadd.f32 v13, v6;
	v5 =	vadd.f32 v27, v5  }
0xb1: {  	v37 =	vld [tilespmem:s15+$0xFFFFFF90];
	v38 =	vmul.f32 v28, v28;
	v9 =	vadd.f32 v24, v9;
	v7 =	vadd.f32 v34, v7  }
0xb2: {  	v40 =	vld [tilespmem:s15+$0xFFFFFF60];
	v39 =	vmul.f32 v29, v29;
	v6 =	vadd.f32 v16, v6;
	v5 =	vadd.f32 v31, v5  }
0xb3: {  	v44 =	vld [tilespmem:s15+$0xFFFFFF80];
	v42 =	vmul.f32 v32, v32;
	v8 =	vadd.f32 v28, v9;
	v7 =	vadd.f32 v38, v7  }
0xb4: {  	v41 =	vld [tilespmem:s15+$0xFFFFFFB0];
	v43 =	vmul.f32 v33, v33;
	v6 =	vadd.f32 v25, v6;
	v5 =	vadd.f32 v35, v5  }
0xb5: {  	v45 =	vld [tilespmem:s15+$0xFFFFFFD0];
	v46 =	vmul.f32 v36, v36;
	v8 =	vadd.f32 v32, v8;
	v7 =	vadd.f32 v42, v7  }
0xb6: {  	v48 =	vld [tilespmem:s15+$0xFFFFFFA0];
	v47 =	vmul.f32 v37, v37;
	v6 =	vadd.f32 v29, v6;
	v5 =	vadd.f32 v39, v5  }
0xb7: {  	v49 =	vld [tilespmem:s15+$0xFFFFFFF0];
	v50 =	vmul.f32 v40, v40;
	v8 =	vadd.f32 v36, v8;
	v7 =	vadd.f32 v46, v7  }
0xb8: {  	s24 =	simm.s32 $0x0;
	v52 =	vld [tilespmem:s15+$0xFFFFFFC0];
	v54 =	vmul.f32 v44, v44;
	v6 =	vadd.f32 v33, v6;
	v5 =	vadd.f32 v43, v5  }
0xb9: {  	v53 =	vld [tilespmem:s15+$0x10];
	v35 =	vadd.s32 s24, v1;
	v8 =	vadd.f32 v40, v8;
	v7 =	vadd.f32 v50, v7  }
0xba: {  	v56 =	vld [tilespmem:s15+$0xFFFFFFE0];
	v51 =	vmul.f32 v41, v41;
	v6 =	vadd.f32 v37, v6;
	v5 =	vadd.f32 v47, v5  }
0xbb: {  	v57 =	vld [tilespmem:s15+$0x30];
	v58 =	vmul.f32 v48, v48;
	v8 =	vadd.f32 v44, v8;
	v7 =	vadd.f32 v54, v7  }
0xbc: {  	v55 =	vmul.f32 v45, v45;
	v33 =	vld.idx.msk [tilespmem:v14+s14+$0x0], $0xffff;
	v6 =	vadd.f32 v41, v6;
	v5 =	vadd.f32 v51, v5  }
0xbd: {  	v60 =	vld [tilespmem:s15+$0x0];
	v62 =	vmul.f32 v52, v52;
	v8 =	vadd.f32 v48, v8;
	v7 =	vadd.f32 v58, v7  }
0xbe: {  	v59 =	vmul.f32 v49, v49;
	v10 =	vld.idx.msk [tilespmem:v35+s14+$0x0], $0xffff;
	v6 =	vadd.f32 v45, v6;
	v5 =	vadd.f32 v55, v5  }
0xbf: {  	v61 =	vld [tilespmem:s15+$0x50];
	v22 =	vmul.f32 v56, v56;
	v8 =	vadd.f32 v52, v8;
	v7 =	vadd.f32 v62, v7  }
0xc0: {  	v20 =	vld [tilespmem:s15+$0x20];
	v63 =	vmul.f32 v53, v53;
	v6 =	vadd.f32 v49, v6;
	v5 =	vadd.f32 v59, v5  }
0xc1: {  	v21 =	vld [tilespmem:s15+$0x70];
	v13 =	vmul.f32 v2, v33;
	v8 =	vadd.f32 v56, v8;
	v7 =	vadd.f32 v22, v7  }
0xc2: {  	v23 =	vmul.f32 v57, v57;
	v24 =	vld [tilespmem:s15+$0x40];
	v6 =	vadd.f32 v53, v6;
	v5 =	vadd.f32 v63, v5  }
0xc3: {  	v26 =	vmul.f32 v60, v60;
	v25 =	vld [tilespmem:s15+$0x90];
	v10 =	vadd.f32 v13, v10;
	v8 =	vadd.f32 v60, v8  }
0xc4: {  	v27 =	vmul.f32 v61, v61;
	v28 =	vld [tilespmem:s15+$0x60];
	v6 =	vadd.f32 v57, v6;
	v5 =	vadd.f32 v23, v5  }
0xc5: {  	v30 =	vmul.f32 v20, v20;
	v29 =	vld [tilespmem:s15+$0xB0];
	v7 =	vadd.f32 v26, v7;
	v8 =	vadd.f32 v20, v8  }
0xc6: {  	v31 =	vmul.f32 v21, v21;
	v32 =	vld [tilespmem:s15+$0x80];
	v6 =	vadd.f32 v61, v6;
	v5 =	vadd.f32 v27, v5  }
0xc7: {  	v4 =	vld [tilespmem:s15+$0xD0];
	v12 =	vmul.f32 v24, v24;
	v7 =	vadd.f32 v30, v7;
	v8 =	vadd.f32 v24, v8  }
0xc8: {  	v36 =	vld [tilespmem:s15+$0xA0];
	v34 =	vmul.f32 v25, v25;
	v6 =	vadd.f32 v21, v6;
	v5 =	vadd.f32 v31, v5  }
0xc9: {  	v18 =	vld [tilespmem:s15+$0xF0];
	v19 =	vmul.f32 v28, v28;
	v7 =	vadd.f32 v12, v7;
	v8 =	vadd.f32 v28, v8  }
0xca: {  	v38 =	vld [tilespmem:s15+$0xC0];
	v37 =	vmul.f32 v29, v29;
	v6 =	vadd.f32 v25, v6;
	v5 =	vadd.f32 v34, v5  }
0xcb: {  	v40 =	vmul.f32 v32, v32;
	v7 =	vadd.f32 v19, v7;
	v8 =	vadd.f32 v32, v8  }
0xcc: {  	v42 =	vld [tilespmem:s15+$0xE0];
	v41 =	vmul.f32 v4, v4;
	v6 =	vadd.f32 v29, v6;
	v5 =	vadd.f32 v37, v5  }
0xcd: {  	v39 =	vld [tilespmem:s15+$0x110];
	v43 =	vmul.f32 v36, v36;
	v7 =	vadd.f32 v40, v7;
	v8 =	vadd.f32 v36, v8  }
0xce: {  	v44 =	vld [tilespmem:s15+$0x100];
	v4 =	vadd.f32 v4, v6;
	v6 =	vmul.f32 v18, v18;
	v5 =	vadd.f32 v41, v5  }
0xcf: {  	v45 =	vld [tilespmem:s15+$0x130];
	v12 =	vmul.f32 v38, v38;
	v7 =	vadd.f32 v43, v7;
	v8 =	vadd.f32 v38, v8  }
0xd0: {  	v4 =	vadd.f32 v18, v4;
	v5 =	vadd.f32 v6, v5;
	v6 =	vld [tilespmem:s15+$0x120]  }
0xd1: {  	v46 =	vld [tilespmem:s15+$0x150];
	v47 =	vmul.f32 v42, v42;
	v7 =	vadd.f32 v12, v7;
	v8 =	vadd.f32 v42, v8  }
0xd2: {  	v48 =	vmul.f32 v39, v39;
	v49 =	vld [tilespmem:s15+$0x140];
	v4 =	vadd.f32 v39, v4  }
0xd3: {  	v50 =	vld [tilespmem:s15+$0x170];
	v51 =	vmul.f32 v44, v44;
	(xrf2) =	vadd.scan.msk.f32 $0xffff, v10;
	v7 =	vadd.f32 v47, v7;
	v8 =	vadd.f32 v44, v8  }
0xd4: {  	v53 =	vld [tilespmem:s15+$0x160];
	v52 =	vmul.f32 v45, v45;
	v5 =	vadd.f32 v48, v5;
	v4 =	vadd.f32 v45, v4  }
0xd5: {  	v54 =	vld [tilespmem:s15+$0x190];
	v7 =	vadd.f32 v51, v7;
	v55 =	vmul.f32 v6, v6;
	v6 =	vadd.f32 v6, v8  }
0xd6: {  	v56 =	vmul.f32 v46, v46;
	v57 =	vld [tilespmem:s15+$0x180];
	v5 =	vadd.f32 v52, v5;
	v4 =	vadd.f32 v46, v4  }
0xd7: {  	v58 =	vmul.f32 v49, v49;
	v7 =	vadd.f32 v55, v7;
	v6 =	vadd.f32 v49, v6  }
0xd8: {  	v59 =	vmul.f32 v50, v50;
	v5 =	vadd.f32 v56, v5;
	v4 =	vadd.f32 v50, v4  }
0xd9: {  	v60 =	vmul.f32 v53, v53;
	v7 =	vadd.f32 v58, v7;
	v6 =	vadd.f32 v53, v6  }
0xda: {  	v61 =	vmul.f32 v54, v54;
	v5 =	vadd.f32 v59, v5;
	v4 =	vadd.f32 v54, v4  }
0xdb: {  	v62 =	vmul.f32 v57, v57;
	v7 =	vadd.f32 v60, v7;
	v6 =	vadd.f32 v57, v6  }
0xdc: {  	v5 =	vadd.f32 v61, v5;
	v4 =	vmul.f32 v4, v4  }
0xdd: {  	v63, _, _ =	vpop (xrf2);
	v7 =	vadd.f32 v62, v7;
	v6 =	vmul.f32 v6, v6  }
0xde: {  	v4 =	vadd.f32 v5, v4;
	v5 =	vbroadcast v63, $0xF  }
0xdf: {  	v6 =	vadd.f32 v7, v6  }
0xe0: {  	v4 =	vmul.f32 $5.000000000e-01, v4;
	v7 =	vadd.f32 v5, v3  }
0xe1: {  	v6 =	vmul.f32 $5.000000000e-01, v6  }
0xe2: {  	v5 =	vadd.f32 v7, v4  }
0xe3: {  	s21 =	simm.s32 $0xDD20;
	s16 =	simm.s32 $0xDD20;
	s19 =	simm.s32 $0x2A;
	v4 =	vadd.f32 v7, v6  }
.LBB2_3:
0xe4: {  	p0 =	sne.s32 s19, $0x676;
	[tilespmem:s16+$0x0] =	vst v5;
	s21 =	sadd.s32 $0x20, s21;
	s15 =	sadd.s32 $0x340, s15  }
0xe5: {  	s24 =	smov.u32 s19;
	s19 =	sadd.s32 $0x1A, s19;
	[tilespmem:s16+$0xFFFFFFF0] =	vst v4;
	s16 =	smov.u32 s21  }
0xe6: {  	v5 =	vld [tilespmem:s15+$0xFFFFFE70]  }
0xe7: {  	v6 =	vld [tilespmem:s15+$0xFFFFFE90]  }
0xe8: {  	v4 =	vld [tilespmem:s15+$0xD0]  }
0xe9: {  	v7 =	vld [tilespmem:s15+$0xFFFFFEB0]  }
0xea: {  	v8 =	vld [tilespmem:s15+$0xFFFFFED0]  }
0xeb: {  	v9 =	vld [tilespmem:s15+$0xFFFFFE60];
	v10 =	vadd.f32 $0.0e+00, v5  }
0xec: {  	v5 =	vmul.f32 v5, v5;
	v11 =	vld [tilespmem:s15+$0xFFFFFE80];
	v12 =	vmul.f32 v6, v6  }
0xed: {  	v6 =	vadd.f32 v6, v10;
	v10 =	vld [tilespmem:s15+$0xFFFFFEF0]  }
0xee: {  	v12 =	vadd.f32 v12, v5;
	v13 =	vld [tilespmem:s15+$0xFFFFFEA0]  }
0xef: {  	v5 =	vadd.s32 s24, v1;
	v6 =	vadd.f32 v7, v6;
	v7 =	vmul.f32 v7, v7;
	v14 =	vld [tilespmem:s15+$0xFFFFFF10]  }
0xf0: {  	v15 =	vadd.f32 $0.0e+00, v9;
	v9 =	vmul.f32 v9, v9;
	v16 =	vld [tilespmem:s15+$0xFFFFFEC0]  }
0xf1: {  	v17 =	vmul.f32 v11, v11;
	v7 =	vadd.f32 v7, v12;
	v12 =	vmul.f32 v8, v8;
	v18 =	vld [tilespmem:s15+$0xFFFFFF30]  }
0xf2: {  	v6 =	vadd.f32 v8, v6;
	v11 =	vadd.f32 v11, v15;
	v8 =	vld [tilespmem:s15+$0xFFFFFEE0];
	v15 =	vmul.f32 v10, v10  }
0xf3: {  	v9 =	vadd.f32 v17, v9;
	v17 =	vmul.f32 v13, v13;
	v7 =	vadd.f32 v12, v7;
	v12 =	vld [tilespmem:s15+$0xFFFFFF50]  }
0xf4: {  	v6 =	vadd.f32 v10, v6;
	v11 =	vadd.f32 v13, v11;
	v10 =	vld [tilespmem:s15+$0xFFFFFF00];
	v13 =	vmul.f32 v14, v14  }
0xf5: {  	v9 =	vadd.f32 v17, v9;
	v17 =	vmul.f32 v16, v16;
	v7 =	vadd.f32 v15, v7;
	v15 =	vld [tilespmem:s15+$0xFFFFFF70]  }
0xf6: {  	v6 =	vadd.f32 v14, v6;
	v11 =	vadd.f32 v16, v11;
	v14 =	vld [tilespmem:s15+$0xFFFFFF20];
	v16 =	vmul.f32 v18, v18  }
0xf7: {  	v9 =	vadd.f32 v17, v9;
	v17 =	vmul.f32 v8, v8;
	v7 =	vadd.f32 v13, v7;
	v13 =	vld [tilespmem:s15+$0xFFFFFF90]  }
0xf8: {  	v6 =	vadd.f32 v18, v6;
	v8 =	vadd.f32 v8, v11;
	v11 =	vld [tilespmem:s15+$0xFFFFFF40];
	v18 =	vmul.f32 v12, v12  }
0xf9: {  	v9 =	vadd.f32 v17, v9;
	v17 =	vmul.f32 v10, v10;
	v7 =	vadd.f32 v16, v7;
	v16 =	vld [tilespmem:s15+$0xFFFFFFB0]  }
0xfa: {  	v6 =	vadd.f32 v12, v6;
	v8 =	vadd.f32 v10, v8;
	v10 =	vld [tilespmem:s15+$0xFFFFFF60];
	v12 =	vmul.f32 v15, v15  }
0xfb: {  	v9 =	vadd.f32 v17, v9;
	v17 =	vmul.f32 v14, v14;
	v7 =	vadd.f32 v18, v7;
	v18 =	vld [tilespmem:s15+$0xFFFFFFD0]  }
0xfc: {  	v6 =	vadd.f32 v15, v6;
	v8 =	vadd.f32 v14, v8;
	v14 =	vld [tilespmem:s15+$0xFFFFFF80];
	v15 =	vmul.f32 v13, v13  }
0xfd: {  	v9 =	vadd.f32 v17, v9;
	v17 =	vmul.f32 v11, v11;
	v7 =	vadd.f32 v12, v7;
	v12 =	vld [tilespmem:s15+$0xFFFFFFF0]  }
0xfe: {  	v6 =	vadd.f32 v13, v6;
	v8 =	vadd.f32 v11, v8;
	v11 =	vld [tilespmem:s15+$0xFFFFFFA0];
	v13 =	vmul.f32 v16, v16  }
0xff: {  	v9 =	vadd.f32 v17, v9;
	v17 =	vmul.f32 v10, v10;
	v7 =	vadd.f32 v15, v7;
	v15 =	vld [tilespmem:s15+$0x10]  }
0x100: {  	v6 =	vadd.f32 v16, v6;
	v8 =	vadd.f32 v10, v8;
	v10 =	vld [tilespmem:s15+$0xFFFFFFC0];
	v16 =	vmul.f32 v18, v18  }
0x101: {  	v9 =	vadd.f32 v17, v9;
	v17 =	vmul.f32 v14, v14;
	v7 =	vadd.f32 v13, v7;
	v13 =	vld [tilespmem:s15+$0x30]  }
0x102: {  	v6 =	vadd.f32 v18, v6;
	v8 =	vadd.f32 v14, v8;
	v14 =	vld [tilespmem:s15+$0xFFFFFFE0];
	v18 =	vmul.f32 v12, v12  }
0x103: {  	v9 =	vadd.f32 v17, v9;
	v17 =	vmul.f32 v11, v11;
	v7 =	vadd.f32 v16, v7;
	v16 =	vld [tilespmem:s15+$0x50]  }
0x104: {  	v6 =	vadd.f32 v12, v6;
	v8 =	vadd.f32 v11, v8;
	v11 =	vld [tilespmem:s15+$0x0];
	v12 =	vmul.f32 v15, v15  }
0x105: {  	v9 =	vadd.f32 v17, v9;
	v17 =	vmul.f32 v10, v10;
	v7 =	vadd.f32 v18, v7;
	v18 =	vld [tilespmem:s15+$0x70]  }
0x106: {  	v6 =	vadd.f32 v15, v6;
	v8 =	vadd.f32 v10, v8;
	v10 =	vld [tilespmem:s15+$0x20];
	v15 =	vmul.f32 v13, v13  }
0x107: {  	v9 =	vadd.f32 v17, v9;
	v17 =	vmul.f32 v14, v14;
	v7 =	vadd.f32 v12, v7;
	v12 =	vld [tilespmem:s15+$0x90]  }
0x108: {  	v6 =	vadd.f32 v13, v6;
	v8 =	vadd.f32 v14, v8;
	v13 =	vld [tilespmem:s15+$0x40];
	v14 =	vmul.f32 v16, v16  }
0x109: {  	v9 =	vadd.f32 v17, v9;
	v17 =	vmul.f32 v11, v11;
	v7 =	vadd.f32 v15, v7;
	v15 =	vld [tilespmem:s15+$0xB0]  }
0x10a: {  	v6 =	vadd.f32 v16, v6;
	v8 =	vadd.f32 v11, v8;
	v11 =	vld [tilespmem:s15+$0x60];
	v16 =	vmul.f32 v18, v18  }
0x10b: {  	v9 =	vadd.f32 v17, v9;
	v17 =	vmul.f32 v10, v10;
	v7 =	vadd.f32 v14, v7;
	v14 =	vld [tilespmem:s15+$0x80]  }
0x10c: {  	s24 =	sadd.s32 $0xFFFFFFF0, s24;
	v6 =	vadd.f32 v18, v6;
	v8 =	vadd.f32 v10, v8;
	v10 =	vmul.f32 v12, v12;
	v5 =	vld.idx.msk [tilespmem:v5+s14+$0x0], $0xffff  }
0x10d: {  	v9 =	vadd.f32 v17, v9;
	v7 =	vadd.f32 v16, v7;
	v16 =	vld [tilespmem:s15+$0x130];
	v17 =	vadd.s32 s24, v1  }
0x10e: {  	v6 =	vadd.f32 v12, v6;
	v8 =	vadd.f32 v13, v8;
	v13 =	vmul.f32 v13, v13;
	v12 =	vld [tilespmem:s15+$0xF0]  }
0x10f: {  	v19 =	vmul.f32 v15, v15;
	v18 =	vmul.f32 v11, v11;
	v7 =	vadd.f32 v10, v7;
	v10 =	vld [tilespmem:s15+$0xA0]  }
0x110: {  	v9 =	vadd.f32 v13, v9;
	v8 =	vadd.f32 v11, v8;
	v11 =	vmul.f32 v4, v4;
	v13 =	vld [tilespmem:s15+$0x110]  }
0x111: {  	v6 =	vadd.f32 v15, v6;
	v20 =	vmul.f32 v14, v14;
	v7 =	vadd.f32 v19, v7;
	v15 =	vld [tilespmem:s15+$0xC0]  }
0x112: {  	v5 =	vmul.f32 v2, v5;
	v9 =	vadd.f32 v18, v9;
	v8 =	vadd.f32 v14, v8;
	v14 =	vld.idx.msk [tilespmem:v17+s14+$0x0], $0xffff  }
0x113: {  	v4 =	vadd.f32 v4, v6;
	v6 =	vadd.f32 v11, v7;
	v7 =	vld [tilespmem:s15+$0xE0];
	v11 =	vmul.f32 v12, v12  }
0x114: {  	v9 =	vadd.f32 v20, v9;
	v8 =	vadd.f32 v10, v8;
	v10 =	vmul.f32 v10, v10;
	v17 =	vld [tilespmem:s15+$0x150]  }
0x115: {  	v4 =	vadd.f32 v12, v4;
	v6 =	vadd.f32 v11, v6;
	v11 =	vld [tilespmem:s15+$0x100];
	v12 =	vmul.f32 v13, v13  }
0x116: {  	v9 =	vadd.f32 v10, v9;
	v8 =	vadd.f32 v15, v8;
	v10 =	vmul.f32 v15, v15;
	v15 =	vld [tilespmem:s15+$0x170]  }
0x117: {  	v4 =	vadd.f32 v13, v4;
	v13 =	vmul.f32 v16, v16;
	v6 =	vadd.f32 v12, v6;
	v12 =	vld [tilespmem:s15+$0x120]  }
0x118: {  	v5 =	vadd.f32 v5, v14;
	v9 =	vadd.f32 v10, v9;
	v10 =	vmul.f32 v7, v7  }
0x119: {  	v4 =	vadd.f32 v16, v4;
	v7 =	vadd.f32 v7, v8;
	v8 =	vld [tilespmem:s15+$0x140];
	v14 =	vmul.f32 v17, v17  }
0x11a: {  	v6 =	vadd.f32 v13, v6;
	v9 =	vadd.f32 v10, v9;
	v10 =	vmul.f32 v11, v11;
	v13 =	vld [tilespmem:s15+$0x190];
	(xrf2) =	vadd.scan.msk.f32 $0xffff, v5  }
0x11b: {  	v4 =	vadd.f32 v17, v4;
	v5 =	vadd.f32 v11, v7;
	v7 =	vld [tilespmem:s15+$0x160];
	v11 =	vmul.f32 v15, v15  }
0x11c: {  	v6 =	vadd.f32 v14, v6;
	v9 =	vadd.f32 v10, v9;
	v10 =	vmul.f32 v12, v12  }
0x11d: {  	v4 =	vadd.f32 v15, v4;
	v5 =	vadd.f32 v12, v5  }
0x11e: {  	v6 =	vadd.f32 v11, v6;
	v9 =	vadd.f32 v10, v9;
	v10 =	vmul.f32 v8, v8;
	v11 =	vld [tilespmem:s15+$0x180]  }
0x11f: {  	v5 =	vadd.f32 v8, v5;
	v4 =	vadd.f32 v13, v4;
	v8 =	vmul.f32 v13, v13  }
0x120: {  	v9 =	vadd.f32 v10, v9;
	v10 =	vmul.f32 v7, v7  }
0x121: {  	v5 =	vadd.f32 v7, v5;
	v12 =	vadd.f32 v8, v6;
	v4 =	vmul.f32 v4, v4  }
0x122: {  	v7 =	vadd.f32 v10, v9  }
0x123: {  	v5 =	vadd.f32 v11, v5;
	v8 =	vmul.f32 v11, v11;
	v4 =	vadd.f32 v12, v4  }
0x124: {  	v6, _, _ =	vpop (xrf2)  }
0x125: {  	v7 =	vadd.f32 v8, v7;
	v6 =	vbroadcast v6, $0xF;
	v5 =	vmul.f32 v5, v5;
	_ =	sdelay $0x1  }
.Ltmp0:
0x126: {  	v5 =	vadd.f32 v7, v5;
	(pc) =	sbr.rel @p0 .LBB2_3-.Ltmp0, $4  }
0x127: {  	v4 =	vmul.f32 $5.000000000e-01, v4;
	v6 =	vadd.f32 v6, v3  }
0x128: {  	v7 =	vmul.f32 $5.000000000e-01, v5  }
0x129: {  	v5 =	vadd.f32 v6, v4  }
0x12a: {  	v4 =	vadd.f32 v6, v7  }
0x12b: {  	s1 =	sadd.s32 $0x1, s1  }
0x12c: {  	[tilespmem:s16+$0x0] =	vst v5;
	s4 =	sshll.u32 s4, $0x2;
	s15 =	rddreg [dreg:$0x4];
	p0 =	sne.s32 s1, $0x8  }
.Ltmp1:
0x12d: {  	[tilespmem:s16+$0xFFFFFFF0] =	vst v4;
	s4 =	sadd.s32 s15, s4;
	(pc) =	sbr.rel @p0 .LBB2_2-.Ltmp1, $4  }
0x12e: {  	[hbm4b:s4+s5] =	stream.linear.scatter [tilespmem:s10], [sflag:$0x3], $0x800, $0x38;
	[tilespmem:$0xE520] =	vst v63  }
0x12f: {  	_ =	swait.ge [sflag:s11], $0x800  }
0x130: {  	[sflag:s11] =	ssyncset.done $0x0  }
0x131: {  	[sflag:s11] =	ssyncadd.s32 $0xFFFFF800  }
0x132: {  	s4 =	rddreg [dreg:$0x7]  }
0x133: {  	s1 =	rddreg [dreg:$0x6];
	s4 =	sadd.s32 $0x1, s4  }
0x134: {  	p0 =	sne.s32 s4, s1  }
.Ltmp2:
0x135: {  	_ = 	snop;
	(pc) =	sbr.rel @p0 .LBB2_1-.Ltmp2, $1  }
0x136: {  	_ =	sdelay $0x3  }
0x137: {  	_ =	sfence.sel $0x180000  }
0x138: {  	[bflag:$0x0] =	sbarrier.arrive $0xFFFF  }
0x139: {  	_ =	strace $0x90000047  }
0x13a: {  	s0 =	stileid.u32;
	[bflag:$0x2] =	sbarrier.arrive $0xFFFF  }
0x13b: {  	p0 =	sne.s32 s0, $0x0;
	s0 =	rddreg [dreg:$0x5]  }
0x13c: {  	s0 =	sadd.s32 @!p0 $0x100000, s0  }
0x13d: {  	[sflag:s0] =	ssyncadd.tile.s32 @!p0 $0x1;
	_ =	shalt  }
.Lfunc_end2:
_tile_overlayer_lowered:
.L_overlay_start_2:
0x13e: {  	(tag) =	ssettag $0x2  }
0x13f: {  	s0 =	rddreg [dreg:$0x0];
	s2 =	stileid.u32  }
0x140: {  	s1 =	rddreg [dreg:$0x1];
	p0 =	sne.s32 s2, $0x0  }
0x141: {  	s3 =	rddreg [dreg:$0x2];
	[bflag:$0x3] =	sbarrier.arrive $0xFFFF;
	s2 =	simm.s32 @!p0 $0x1C03  }
0x142: {  	[timem:s3], [sflag:s2] =	dma.local @!p0 [hbm:s0], s1  }
0x143: {  	s0 =	simm.s32 @!p0 $0x3  }
0x144: {  	_ =	swait.ge @!p0 [sflag:s0], s1  }
0x145: {  	s1 =	ssub.s32 @!p0 $0x0, s1;
	[sflag:s0] =	ssyncset.done @!p0 $0x0  }
0x146: {  	[sflag:s0] =	ssyncadd.s32 @!p0 s1  }
0x147: {  	[bflag:$0x3] =	sbarrier.arrive $0xFFFF  }
0x148: {  	_ =	shalt  }

</sc_bundles>
